<compile_context>
chip_gen: v7x
topology: tpu7x:2x2x1
jax: 0.10.2.dev20260603
libtpu: 0.0.44.dev20260713+nightly
codegen_flags: <defaults>
</compile_context>

<pallas_src>
import functools

import jax
import jax.numpy as jnp
from jax import lax
from jax.experimental import pallas as pl
from jax.experimental.pallas import tpu as pltpu
from jax.experimental.pallas import tpu_sc as plsc

_NC = 2
_NS = 16
_NW = _NC * _NS
_L = 16
_K = 128
_NB = 4


def _dense_body(x_ref, wmlp_ref, bmlp_ref, wn_ref, g_ref):
    h = jnp.dot(x_ref[...], wmlp_ref[...]) + bmlp_ref[...]
    h = jnp.maximum(h, 0.0)
    g_ref[...] = jnp.dot(h, wn_ref[...])


def _fx_body(x_ref, ws_ref, fx_ref):
    fx_ref[...] = jnp.dot(x_ref[...], ws_ref[...])


def _combine_body(fx_ref, ps_ref, pd_ref, b_ref, o_ref):
    kv = fx_ref.shape[-1]
    s = ps_ref[0] + ps_ref[1]
    deg = pd_ref[0] + pd_ref[1]
    mean = jnp.where(deg > 0.0, s / jnp.maximum(deg, 1.0), 0.0)
    o_ref[:, 0:kv] = jnp.maximum(fx_ref[...] + b_ref[0, 0:kv], 0.0)
    o_ref[:, kv:] = jnp.maximum(mean + b_ref[0, kv:], 0.0)


def _make_sc_agg(n_acc, kv, n_chunks):
    nps = n_acc // _NS
    wchunks = nps // _K
    ndr = n_acc // _L
    dch = ndr // _K
    dpt = ndr // _NS
    mesh = plsc.VectorSubcoreMesh(core_axis_name="c", subcore_axis_name="s")
    out_type = [
        jax.ShapeDtypeStruct((_NC, n_acc, kv), jnp.float32),
        jax.ShapeDtypeStruct((_NC, ndr, _L), jnp.float32),
    ]
    epw = n_chunks * _K
    scratch = [
        pltpu.VMEM((epw,), jnp.int32),
        pltpu.VMEM((epw,), jnp.int32),
        [pltpu.VMEM((_K, kv), jnp.float32) for _ in range(_NB)],
        pltpu.VMEM((ndr, _L), jnp.float32),
        pltpu.VMEM((dch, _K), jnp.int32),
        pltpu.VMEM((dpt, _L), jnp.float32),
        pltpu.VMEM_SHARED((n_acc, kv), jnp.float32),
        pltpu.VMEM_SHARED((ndr, _L), jnp.float32),
        [pltpu.SemaphoreType.DMA for _ in range(_NB)],
    ]

    @functools.partial(
        pl.kernel, out_type=out_type, mesh=mesh, scratch_types=scratch,
        compiler_params=pltpu.CompilerParams(use_tc_tiling_on_sc=False,
                                             needs_layout_passes=False))
    def agg(g_hbm, col_hbm, row_hbm, osum_hbm, odeg_hbm,
            colv, rowv, bufs, degv, idxv, zbuf, acc, dacc, sems):
        cid = lax.axis_index("c")
        sid = lax.axis_index("s")
        wid = sid * _NC + cid
        base = sid * nps
        ones = jnp.ones((_L,), jnp.float32)

        pltpu.sync_copy(col_hbm.at[pl.ds(wid * epw, epw)], colv)
        pltpu.sync_copy(row_hbm.at[pl.ds(wid * epw, epw)], rowv)

        @pl.loop(0, ndr)
        def _(i):
            degv[i] = jnp.zeros((_L,), jnp.float32)

        @pl.loop(0, dch)
        def _(a):
            for b in range(_K // _L):
                idxv[a, pl.ds(b * _L, _L)] = (
                    a * _K + b * _L + lax.iota(jnp.int32, _L))

        @pl.loop(0, dpt)
        def _(i):
            zbuf[i] = jnp.zeros((_L,), jnp.float32)

        @pl.loop(0, _K)
        def _(i):
            for j in range(kv // _L):
                bufs[0][i, pl.ds(j * _L, _L)] = jnp.zeros((_L,), jnp.float32)

        @pl.loop(0, wchunks)
        def _(j):
            pltpu.sync_copy(bufs[0], acc.at[pl.ds(base + j * _K, _K)])

        pltpu.sync_copy(zbuf, dacc.at[pl.ds(sid * dpt, dpt)])

        plsc.subcore_barrier()

        for b in range(_NB):
            pltpu.async_copy(g_hbm.at[colv.at[pl.ds(b * _K, _K)]],
                             bufs[b], sems[b])

        @pl.loop(0, n_chunks, step=_NB)
        def _(c):
            for b in range(_NB):
                cb = (c + b) * _K
                pltpu.make_async_copy(
                    g_hbm.at[colv.at[pl.ds(cb, _K)]], bufs[b], sems[b]).wait()
                pltpu.sync_copy(bufs[b], acc.at[rowv.at[pl.ds(cb, _K)]],
                                add=True)

                @pl.when(c + b + _NB < n_chunks)
                def _():
                    pltpu.async_copy(
                        g_hbm.at[colv.at[pl.ds(cb + _NB * _K, _K)]],
                        bufs[b], sems[b])

                for v in range(_K // _L):
                    r = rowv[pl.ds(cb + v * _L, _L)]
                    plsc.addupdate_scatter(degv, [r >> 4, r & 15], ones)

        @pl.loop(0, dch)
        def _(a):
            pltpu.sync_copy(degv.at[pl.ds(a * _K, _K)],
                            dacc.at[idxv.at[a]], add=True)

        plsc.subcore_barrier()

        @pl.loop(0, wchunks)
        def _(j):
            pltpu.sync_copy(acc.at[pl.ds(base + j * _K, _K)], bufs[0])
            pltpu.sync_copy(bufs[0], osum_hbm.at[cid].at[pl.ds(base + j * _K, _K)])

        pltpu.sync_copy(dacc.at[pl.ds(sid * dpt, dpt)], zbuf)
        pltpu.sync_copy(zbuf, odeg_hbm.at[cid].at[pl.ds(sid * dpt, dpt)])

    return agg


def kernel(x, edge_index, self_kernel, neighbor_mlp_kernel, neighbor_mlp_bias,
           neighbor_kernel, bias):
    n, d = x.shape
    e = edge_index.shape[1]
    h = neighbor_mlp_kernel.shape[1]
    kv = neighbor_kernel.shape[1]
    units = bias.shape[0]
    assert kv % _L == 0

    step = _NW * _K * _NB
    e_pad = -(-e // step) * step
    n_acc = -(-n // (_NS * _K)) * (_NS * _K)
    if e_pad > e and n_acc == n:
        n_acc += _NS * _K
    n_chunks = e_pad // (_NW * _K)
    assert (n_acc // _L) % (_K * _NS) == 0 or (n_acc // _L) % _K == 0

    rb = 2000
    grid = (n // rb,)
    g = pl.pallas_call(
        _dense_body,
        grid=grid,
        in_specs=[
            pl.BlockSpec((rb, d), lambda i: (i, 0)),
            pl.BlockSpec((d, h), lambda i: (0, 0)),
            pl.BlockSpec((1, h), lambda i: (0, 0)),
            pl.BlockSpec((h, kv), lambda i: (0, 0)),
        ],
        out_specs=pl.BlockSpec((rb, kv), lambda i: (i, 0)),
        out_shape=jax.ShapeDtypeStruct((n, kv), jnp.float32),
    )(x, neighbor_mlp_kernel, neighbor_mlp_bias.reshape(1, h), neighbor_kernel)

    col = edge_index[1]
    row = edge_index[0]
    if e_pad > e:
        ar = jnp.arange(e_pad - e, dtype=col.dtype)
        col = jnp.concatenate([col, ar % n])
        row = jnp.concatenate([row, n + ar % (n_acc - n)])
    psum, pdeg = _make_sc_agg(n_acc, kv, n_chunks)(g, col, row)

    fx = pl.pallas_call(
        _fx_body,
        grid=grid,
        in_specs=[
            pl.BlockSpec((rb, d), lambda i: (i, 0)),
            pl.BlockSpec((d, kv), lambda i: (0, 0)),
        ],
        out_specs=pl.BlockSpec((rb, kv), lambda i: (i, 0)),
        out_shape=jax.ShapeDtypeStruct((n, kv), jnp.float32),
    )(x, self_kernel)

    pdeg3 = pdeg.reshape(_NC, n_acc, 1)
    out = pl.pallas_call(
        _combine_body,
        grid=grid,
        in_specs=[
            pl.BlockSpec((rb, kv), lambda i: (i, 0)),
            pl.BlockSpec((_NC, rb, kv), lambda i: (0, i, 0)),
            pl.BlockSpec((_NC, rb, 1), lambda i: (0, i, 0)),
            pl.BlockSpec((1, units), lambda i: (0, 0)),
        ],
        out_specs=pl.BlockSpec((rb, units), lambda i: (i, 0)),
        out_shape=jax.ShapeDtypeStruct((n, units), jnp.float32),
    )(fx, psum, pdeg3, bias.reshape(1, units))
    return out

# --- scband reference (transcript-rebuilt; emitter-appended) ---
"""Pipeline reference for scband-mean-pool-graph-sage-79972291052243 (READ-ONLY COPY).

The authoritative reference and input builder live on the scoring server;
editing this copy changes nothing except your own understanding.
"""

import jax, jax.numpy as jnp
import numpy as np


def setup_inputs(seed: int = 0):
    key = jax.random.key(seed)
    ks = jax.random.split(key, 8)
    n_nodes, d_feat, n_edges, units = 10000, 128, 320000, 128
    ku = units // 2  # concat=True -> kernel_units = units // 2
    x = jax.random.normal(ks[0], (n_nodes, d_feat), dtype=jnp.float32)
    edge_index = jax.random.randint(ks[1], (2, n_edges), 0, n_nodes)
    self_kernel = jax.random.normal(ks[2], (d_feat, ku), dtype=jnp.float32) * 0.05
    neighbor_mlp_kernel = jax.random.normal(ks[3], (d_feat, ku * 4), dtype=jnp.float32) * 0.05
    neighbor_mlp_bias = jax.random.normal(ks[4], (ku * 4,), dtype=jnp.float32) * 0.05
    neighbor_kernel = jax.random.normal(ks[5], (ku * 4, ku), dtype=jnp.float32) * 0.05
    bias = jax.random.normal(ks[6], (units,), dtype=jnp.float32) * 0.05
    return {"x": x, "edge_index": edge_index, "self_kernel": self_kernel,
            "neighbor_mlp_kernel": neighbor_mlp_kernel, "neighbor_mlp_bias": neighbor_mlp_bias,
            "neighbor_kernel": neighbor_kernel, "bias": bias}


def reference(x, edge_index, self_kernel, neighbor_mlp_kernel, neighbor_mlp_bias, neighbor_kernel, bias):
    num_nodes = x.shape[0]
    row = edge_index[0]
    col = edge_index[1]
    # neighbor MLP: gather neighbor features, dense 4x expansion, bias, activation
    h = jnp.take(x, col, axis=0) @ neighbor_mlp_kernel + neighbor_mlp_bias
    h = jax.nn.relu(h)
    # mean-pool over neighbors (unsorted segment mean by destination node `row`)
    sum_h = jax.ops.segment_sum(h, row, num_segments=num_nodes)
    deg = jax.ops.segment_sum(jnp.ones((row.shape[0],), dtype=h.dtype), row, num_segments=num_nodes)
    mean_h = jnp.where(deg[:, None] > 0, sum_h / jnp.maximum(deg[:, None], 1.0), 0.0)
    from_neighs = mean_h @ neighbor_kernel
    from_x = x @ self_kernel
    # concat=True branch
    out = jnp.concatenate([from_x, from_neighs], axis=1)
    out = out + bias
    out = jax.nn.relu(out)
    # normalize=False -> no l2 normalize
    return out

if __name__ == "__main__":
    import jax
    _d = setup_inputs()
    print(jax.jit(kernel)(*tuple(_d.values())))

</pallas_src>

<mosaic_0001>
#map = affine_map<(d0, d1) -> (0, 0)>
#map1 = affine_map<(d0, d1) -> (0)>
#map2 = affine_map<(d0, d1) -> (0, 0, 0)>
module attributes {stable_mosaic.version = 14 : i64} {
  func.func @agg(%arg0: i32, %arg1: i32, %arg2: memref<10000x64xf32, #tpu.memory_space<hbm>>, %arg3: memref<327680xi32, #tpu.memory_space<hbm>>, %arg4: memref<327680xi32, #tpu.memory_space<hbm>>, %arg5: memref<2x10240x64xf32, #tpu.memory_space<hbm>>, %arg6: memref<2x640x16xf32, #tpu.memory_space<hbm>>, %arg7: memref<10240xi32, #tpu.memory_space<vmem>>, %arg8: memref<10240xi32, #tpu.memory_space<vmem>>, %arg9: memref<128x64xf32, #tpu.memory_space<vmem>>, %arg10: memref<128x64xf32, #tpu.memory_space<vmem>>, %arg11: memref<128x64xf32, #tpu.memory_space<vmem>>, %arg12: memref<128x64xf32, #tpu.memory_space<vmem>>, %arg13: memref<640x16xf32, #tpu.memory_space<vmem>>, %arg14: memref<5x128xi32, #tpu.memory_space<vmem>>, %arg15: memref<40x16xf32, #tpu.memory_space<vmem>>, %arg16: memref<10240x64xf32, #tpu.memory_space<vmem_shared>>, %arg17: memref<640x16xf32, #tpu.memory_space<vmem_shared>>, %arg18: memref<!tpu.dma_semaphore, #tpu.memory_space<semaphore_mem>>, %arg19: memref<!tpu.dma_semaphore, #tpu.memory_space<semaphore_mem>>, %arg20: memref<!tpu.dma_semaphore, #tpu.memory_space<semaphore_mem>>, %arg21: memref<!tpu.dma_semaphore, #tpu.memory_space<semaphore_mem>>) attributes {dimension_semantics = [#tpu.dimension_semantics<core_parallel>, #tpu.dimension_semantics<subcore_parallel>], iteration_bounds = array<i64: 2, 16>, scalar_prefetch = 0 : i64, scratch_operands = 15 : i64, tpu.core_type = #tpu.core_type<sc_vector_subcore>, window_params = [{transform_indices = #map}, {transform_indices = #map1}, {transform_indices = #map1}, {transform_indices = #map2}, {transform_indices = #map2}]} {
    %mul3A = arith.constant 2 : i32
    %mul3A_0 = arith.muli %arg1, %mul3A : i32
    %add3A = arith.addi %mul3A_0, %arg0 : i32
    %mul3A_1 = arith.constant 640 : i32
    %mul3A_2 = arith.muli %arg1, %mul3A_1 : i32
    %broadcast_in_dim3A = arith.constant 1.000000e+00 : f32
    %broadcast_in_dim3A_3 = vector.broadcast %broadcast_in_dim3A : f32 to vector<16xf32>
    %mul3A_4 = arith.constant 10240 : i32
    %mul3A_5 = arith.muli %add3A, %mul3A_4 : i32
    "tpu.region"() ({
      %run_scoped3A = tpu.sem_alloc : memref<!tpu.dma_semaphore, #tpu.memory_space<semaphore_mem>>
      %dma_start3A_73 = tpu.memref_slice %arg3[%mul3A_5] : memref<327680xi32, #tpu.memory_space<hbm>> -> memref<10240xi32, #tpu.memory_space<hbm>>
      %dma_start3A_74 = tpu.memref_slice %arg3[%mul3A_5] : memref<327680xi32, #tpu.memory_space<hbm>> -> memref<10240xi32, #tpu.memory_space<hbm>>
      tpu.enqueue_dma source(%dma_start3A_74 : memref<10240xi32, #tpu.memory_space<hbm>>) target(%arg7 : memref<10240xi32, #tpu.memory_space<vmem>>) target_semaphore(%run_scoped3A : memref<!tpu.dma_semaphore, #tpu.memory_space<semaphore_mem>>)
      %dma_wait3A = tpu.memref_slice %arg3[%mul3A_5] : memref<327680xi32, #tpu.memory_space<hbm>> -> memref<10240xi32, #tpu.memory_space<hbm>>
      %dma_wait3A_75 = tpu.memref_slice %arg3[%mul3A_5] : memref<327680xi32, #tpu.memory_space<hbm>> -> memref<10240xi32, #tpu.memory_space<hbm>>
      tpu.wait_dma2 semaphore(%run_scoped3A : memref<!tpu.dma_semaphore, #tpu.memory_space<semaphore_mem>>) src(%dma_wait3A_75 : memref<10240xi32, #tpu.memory_space<hbm>>) dst(%arg7 : memref<10240xi32, #tpu.memory_space<vmem>>)
      tpu.yield
    }) : () -> ()
    %mul3A_6 = arith.constant 10240 : i32
    %mul3A_7 = arith.muli %add3A, %mul3A_6 : i32
    "tpu.region"() ({
      %run_scoped3A = tpu.sem_alloc : memref<!tpu.dma_semaphore, #tpu.memory_space<semaphore_mem>>
      %dma_start3A_73 = tpu.memref_slice %arg4[%mul3A_7] : memref<327680xi32, #tpu.memory_space<hbm>> -> memref<10240xi32, #tpu.memory_space<hbm>>
      %dma_start3A_74 = tpu.memref_slice %arg4[%mul3A_7] : memref<327680xi32, #tpu.memory_space<hbm>> -> memref<10240xi32, #tpu.memory_space<hbm>>
      tpu.enqueue_dma source(%dma_start3A_74 : memref<10240xi32, #tpu.memory_space<hbm>>) target(%arg8 : memref<10240xi32, #tpu.memory_space<vmem>>) target_semaphore(%run_scoped3A : memref<!tpu.dma_semaphore, #tpu.memory_space<semaphore_mem>>)
      %dma_wait3A = tpu.memref_slice %arg4[%mul3A_7] : memref<327680xi32, #tpu.memory_space<hbm>> -> memref<10240xi32, #tpu.memory_space<hbm>>
      %dma_wait3A_75 = tpu.memref_slice %arg4[%mul3A_7] : memref<327680xi32, #tpu.memory_space<hbm>> -> memref<10240xi32, #tpu.memory_space<hbm>>
      tpu.wait_dma2 semaphore(%run_scoped3A : memref<!tpu.dma_semaphore, #tpu.memory_space<semaphore_mem>>) src(%dma_wait3A_75 : memref<10240xi32, #tpu.memory_space<hbm>>) dst(%arg8 : memref<10240xi32, #tpu.memory_space<vmem>>)
      tpu.yield
    }) : () -> ()
    %scan3A = arith.constant 0 : i32
    %scan3A_8 = arith.constant 640 : i32
    %scan3A_9 = arith.addi %scan3A, %scan3A_8 : i32
    %scan3A_10 = arith.constant 1 : i32
    scf.for %scan3A_73 = %scan3A to %scan3A_9 step %scan3A_10  : i32 {
      %mul3A_74 = arith.constant 1 : i32
      %mul3A_75 = arith.muli %scan3A_73, %mul3A_74 : i32
      %add3A_76 = arith.constant 0 : i32
      %add3A_77 = arith.addi %add3A_76, %mul3A_75 : i32
      %broadcast_in_dim3A_78 = arith.constant 0.000000e+00 : f32
      %broadcast_in_dim3A_79 = vector.broadcast %broadcast_in_dim3A_78 : f32 to vector<16xf32>
      %swap3A = arith.index_cast %add3A_77 : i32 to index
      %swap3A_80 = arith.constant 0 : index
      %swap3A_81 = tpu.vector_load %arg13[%swap3A, %swap3A_80] {strides = array<i32>} : memref<640x16xf32, #tpu.memory_space<vmem>>, vector<16xf32>,
      tpu.vector_store %arg13[%swap3A, %swap3A_80], %broadcast_in_dim3A_79 {strides = array<i32>} : memref<640x16xf32, #tpu.memory_space<vmem>>, vector<16xf32>,
    }
    %scan3A_11 = arith.constant 640 : i32
    %scan3A_12 = arith.constant 0 : i32
    %scan3A_13 = arith.constant 5 : i32
    %scan3A_14 = arith.addi %scan3A_12, %scan3A_13 : i32
    %scan3A_15 = arith.constant 1 : i32
    scf.for %scan3A_73 = %scan3A_12 to %scan3A_14 step %scan3A_15  : i32 {
      %mul3A_74 = arith.constant 1 : i32
      %mul3A_75 = arith.muli %scan3A_73, %mul3A_74 : i32
      %add3A_76 = arith.constant 0 : i32
      %add3A_77 = arith.addi %add3A_76, %mul3A_75 : i32
      %mul3A_78 = arith.constant 128 : i32
      %mul3A_79 = arith.muli %add3A_77, %mul3A_78 : i32
      %add3A_80 = arith.constant 0 : i32
      %add3A_81 = arith.addi %mul3A_79, %add3A_80 : i32
      %iota3A = tpu.iota {dimensions = array<i32: 0>} : vector<16xi32>
      %add3A_82 = vector.broadcast %add3A_81 : i32 to vector<16xi32>
      %add3A_83 = arith.addi %add3A_82, %iota3A : vector<16xi32>
      %swap3A = arith.index_cast %add3A_77 : i32 to index
      %swap3A_84 = arith.constant 0 : index
      %swap3A_85 = tpu.vector_load %arg14[%swap3A, %swap3A_84] {strides = array<i32>} : memref<5x128xi32, #tpu.memory_space<vmem>>, vector<16xi32>,
      tpu.vector_store %arg14[%swap3A, %swap3A_84], %add3A_83 {strides = array<i32>} : memref<5x128xi32, #tpu.memory_space<vmem>>, vector<16xi32>,
      %mul3A_86 = arith.constant 128 : i32
      %mul3A_87 = arith.muli %add3A_77, %mul3A_86 : i32
      %add3A_88 = arith.constant 16 : i32
      %add3A_89 = arith.addi %mul3A_87, %add3A_88 : i32
      %iota3A_90 = tpu.iota {dimensions = array<i32: 0>} : vector<16xi32>
      %add3A_91 = vector.broadcast %add3A_89 : i32 to vector<16xi32>
      %add3A_92 = arith.addi %add3A_91, %iota3A_90 : vector<16xi32>
      %swap3A_93 = arith.index_cast %add3A_77 : i32 to index
      %swap3A_94 = arith.constant 16 : index
      %swap3A_95 = tpu.vector_load %arg14[%swap3A_93, %swap3A_94] {strides = array<i32>} : memref<5x128xi32, #tpu.memory_space<vmem>>, vector<16xi32>,
      tpu.vector_store %arg14[%swap3A_93, %swap3A_94], %add3A_92 {strides = array<i32>} : memref<5x128xi32, #tpu.memory_space<vmem>>, vector<16xi32>,
      %mul3A_96 = arith.constant 128 : i32
      %mul3A_97 = arith.muli %add3A_77, %mul3A_96 : i32
      %add3A_98 = arith.constant 32 : i32
      %add3A_99 = arith.addi %mul3A_97, %add3A_98 : i32
      %iota3A_100 = tpu.iota {dimensions = array<i32: 0>} : vector<16xi32>
      %add3A_101 = vector.broadcast %add3A_99 : i32 to vector<16xi32>
      %add3A_102 = arith.addi %add3A_101, %iota3A_100 : vector<16xi32>
      %swap3A_103 = arith.index_cast %add3A_77 : i32 to index
      %swap3A_104 = arith.constant 32 : index
      %swap3A_105 = tpu.vector_load %arg14[%swap3A_103, %swap3A_104] {strides = array<i32>} : memref<5x128xi32, #tpu.memory_space<vmem>>, vector<16xi32>,
      tpu.vector_store %arg14[%swap3A_103, %swap3A_104], %add3A_102 {strides = array<i32>} : memref<5x128xi32, #tpu.memory_space<vmem>>, vector<16xi32>,
      %mul3A_106 = arith.constant 128 : i32
      %mul3A_107 = arith.muli %add3A_77, %mul3A_106 : i32
      %add3A_108 = arith.constant 48 : i32
      %add3A_109 = arith.addi %mul3A_107, %add3A_108 : i32
      %iota3A_110 = tpu.iota {dimensions = array<i32: 0>} : vector<16xi32>
      %add3A_111 = vector.broadcast %add3A_109 : i32 to vector<16xi32>
      %add3A_112 = arith.addi %add3A_111, %iota3A_110 : vector<16xi32>
      %swap3A_113 = arith.index_cast %add3A_77 : i32 to index
      %swap3A_114 = arith.constant 48 : index
      %swap3A_115 = tpu.vector_load %arg14[%swap3A_113, %swap3A_114] {strides = array<i32>} : memref<5x128xi32, #tpu.memory_space<vmem>>, vector<16xi32>,
      tpu.vector_store %arg14[%swap3A_113, %swap3A_114], %add3A_112 {strides = array<i32>} : memref<5x128xi32, #tpu.memory_space<vmem>>, vector<16xi32>,
      %mul3A_116 = arith.constant 128 : i32
      %mul3A_117 = arith.muli %add3A_77, %mul3A_116 : i32
      %add3A_118 = arith.constant 64 : i32
      %add3A_119 = arith.addi %mul3A_117, %add3A_118 : i32
      %iota3A_120 = tpu.iota {dimensions = array<i32: 0>} : vector<16xi32>
      %add3A_121 = vector.broadcast %add3A_119 : i32 to vector<16xi32>
      %add3A_122 = arith.addi %add3A_121, %iota3A_120 : vector<16xi32>
      %swap3A_123 = arith.index_cast %add3A_77 : i32 to index
      %swap3A_124 = arith.constant 64 : index
      %swap3A_125 = tpu.vector_load %arg14[%swap3A_123, %swap3A_124] {strides = array<i32>} : memref<5x128xi32, #tpu.memory_space<vmem>>, vector<16xi32>,
      tpu.vector_store %arg14[%swap3A_123, %swap3A_124], %add3A_122 {strides = array<i32>} : memref<5x128xi32, #tpu.memory_space<vmem>>, vector<16xi32>,
      %mul3A_126 = arith.constant 128 : i32
      %mul3A_127 = arith.muli %add3A_77, %mul3A_126 : i32
      %add3A_128 = arith.constant 80 : i32
      %add3A_129 = arith.addi %mul3A_127, %add3A_128 : i32
      %iota3A_130 = tpu.iota {dimensions = array<i32: 0>} : vector<16xi32>
      %add3A_131 = vector.broadcast %add3A_129 : i32 to vector<16xi32>
      %add3A_132 = arith.addi %add3A_131, %iota3A_130 : vector<16xi32>
      %swap3A_133 = arith.index_cast %add3A_77 : i32 to index
      %swap3A_134 = arith.constant 80 : index
      %swap3A_135 = tpu.vector_load %arg14[%swap3A_133, %swap3A_134] {strides = array<i32>} : memref<5x128xi32, #tpu.memory_space<vmem>>, vector<16xi32>,
      tpu.vector_store %arg14[%swap3A_133, %swap3A_134], %add3A_132 {strides = array<i32>} : memref<5x128xi32, #tpu.memory_space<vmem>>, vector<16xi32>,
      %mul3A_136 = arith.constant 128 : i32
      %mul3A_137 = arith.muli %add3A_77, %mul3A_136 : i32
      %add3A_138 = arith.constant 96 : i32
      %add3A_139 = arith.addi %mul3A_137, %add3A_138 : i32
      %iota3A_140 = tpu.iota {dimensions = array<i32: 0>} : vector<16xi32>
      %add3A_141 = vector.broadcast %add3A_139 : i32 to vector<16xi32>
      %add3A_142 = arith.addi %add3A_141, %iota3A_140 : vector<16xi32>
      %swap3A_143 = arith.index_cast %add3A_77 : i32 to index
      %swap3A_144 = arith.constant 96 : index
      %swap3A_145 = tpu.vector_load %arg14[%swap3A_143, %swap3A_144] {strides = array<i32>} : memref<5x128xi32, #tpu.memory_space<vmem>>, vector<16xi32>,
      tpu.vector_store %arg14[%swap3A_143, %swap3A_144], %add3A_142 {strides = array<i32>} : memref<5x128xi32, #tpu.memory_space<vmem>>, vector<16xi32>,
      %mul3A_146 = arith.constant 128 : i32
      %mul3A_147 = arith.muli %add3A_77, %mul3A_146 : i32
      %add3A_148 = arith.constant 112 : i32
      %add3A_149 = arith.addi %mul3A_147, %add3A_148 : i32
      %iota3A_150 = tpu.iota {dimensions = array<i32: 0>} : vector<16xi32>
      %add3A_151 = vector.broadcast %add3A_149 : i32 to vector<16xi32>
      %add3A_152 = arith.addi %add3A_151, %iota3A_150 : vector<16xi32>
      %swap3A_153 = arith.index_cast %add3A_77 : i32 to index
      %swap3A_154 = arith.constant 112 : index
      %swap3A_155 = tpu.vector_load %arg14[%swap3A_153, %swap3A_154] {strides = array<i32>} : memref<5x128xi32, #tpu.memory_space<vmem>>, vector<16xi32>,
      tpu.vector_store %arg14[%swap3A_153, %swap3A_154], %add3A_152 {strides = array<i32>} : memref<5x128xi32, #tpu.memory_space<vmem>>, vector<16xi32>,
    }
    %scan3A_16 = arith.constant 5 : i32
    %scan3A_17 = arith.constant 0 : i32
    %scan3A_18 = arith.constant 40 : i32
    %scan3A_19 = arith.addi %scan3A_17, %scan3A_18 : i32
    %scan3A_20 = arith.constant 1 : i32
    scf.for %scan3A_73 = %scan3A_17 to %scan3A_19 step %scan3A_20  : i32 {
      %mul3A_74 = arith.constant 1 : i32
      %mul3A_75 = arith.muli %scan3A_73, %mul3A_74 : i32
      %add3A_76 = arith.constant 0 : i32
      %add3A_77 = arith.addi %add3A_76, %mul3A_75 : i32
      %broadcast_in_dim3A_78 = arith.constant 0.000000e+00 : f32
      %broadcast_in_dim3A_79 = vector.broadcast %broadcast_in_dim3A_78 : f32 to vector<16xf32>
      %swap3A = arith.index_cast %add3A_77 : i32 to index
      %swap3A_80 = arith.constant 0 : index
      %swap3A_81 = tpu.vector_load %arg15[%swap3A, %swap3A_80] {strides = array<i32>} : memref<40x16xf32, #tpu.memory_space<vmem>>, vector<16xf32>,
      tpu.vector_store %arg15[%swap3A, %swap3A_80], %broadcast_in_dim3A_79 {strides = array<i32>} : memref<40x16xf32, #tpu.memory_space<vmem>>, vector<16xf32>,
    }
    %scan3A_21 = arith.constant 40 : i32
    %scan3A_22 = arith.constant 0 : i32
    %scan3A_23 = arith.constant 128 : i32
    %scan3A_24 = arith.addi %scan3A_22, %scan3A_23 : i32
    %scan3A_25 = arith.constant 1 : i32
    scf.for %scan3A_73 = %scan3A_22 to %scan3A_24 step %scan3A_25  : i32 {
      %mul3A_74 = arith.constant 1 : i32
      %mul3A_75 = arith.muli %scan3A_73, %mul3A_74 : i32
      %add3A_76 = arith.constant 0 : i32
      %add3A_77 = arith.addi %add3A_76, %mul3A_75 : i32
      %broadcast_in_dim3A_78 = arith.constant 0.000000e+00 : f32
      %broadcast_in_dim3A_79 = vector.broadcast %broadcast_in_dim3A_78 : f32 to vector<16xf32>
      %swap3A = arith.index_cast %add3A_77 : i32 to index
      %swap3A_80 = arith.constant 0 : index
      %swap3A_81 = tpu.vector_load %arg9[%swap3A, %swap3A_80] {strides = array<i32>} : memref<128x64xf32, #tpu.memory_space<vmem>>, vector<16xf32>,
      tpu.vector_store %arg9[%swap3A, %swap3A_80], %broadcast_in_dim3A_79 {strides = array<i32>} : memref<128x64xf32, #tpu.memory_space<vmem>>, vector<16xf32>,
      %broadcast_in_dim3A_82 = arith.constant 0.000000e+00 : f32
      %broadcast_in_dim3A_83 = vector.broadcast %broadcast_in_dim3A_82 : f32 to vector<16xf32>
      %swap3A_84 = arith.index_cast %add3A_77 : i32 to index
      %swap3A_85 = arith.constant 16 : index
      %swap3A_86 = tpu.vector_load %arg9[%swap3A_84, %swap3A_85] {strides = array<i32>} : memref<128x64xf32, #tpu.memory_space<vmem>>, vector<16xf32>,
      tpu.vector_store %arg9[%swap3A_84, %swap3A_85], %broadcast_in_dim3A_83 {strides = array<i32>} : memref<128x64xf32, #tpu.memory_space<vmem>>, vector<16xf32>,
      %broadcast_in_dim3A_87 = arith.constant 0.000000e+00 : f32
      %broadcast_in_dim3A_88 = vector.broadcast %broadcast_in_dim3A_87 : f32 to vector<16xf32>
      %swap3A_89 = arith.index_cast %add3A_77 : i32 to index
      %swap3A_90 = arith.constant 32 : index
      %swap3A_91 = tpu.vector_load %arg9[%swap3A_89, %swap3A_90] {strides = array<i32>} : memref<128x64xf32, #tpu.memory_space<vmem>>, vector<16xf32>,
      tpu.vector_store %arg9[%swap3A_89, %swap3A_90], %broadcast_in_dim3A_88 {strides = array<i32>} : memref<128x64xf32, #tpu.memory_space<vmem>>, vector<16xf32>,
      %broadcast_in_dim3A_92 = arith.constant 0.000000e+00 : f32
      %broadcast_in_dim3A_93 = vector.broadcast %broadcast_in_dim3A_92 : f32 to vector<16xf32>
      %swap3A_94 = arith.index_cast %add3A_77 : i32 to index
      %swap3A_95 = arith.constant 48 : index
      %swap3A_96 = tpu.vector_load %arg9[%swap3A_94, %swap3A_95] {strides = array<i32>} : memref<128x64xf32, #tpu.memory_space<vmem>>, vector<16xf32>,
      tpu.vector_store %arg9[%swap3A_94, %swap3A_95], %broadcast_in_dim3A_93 {strides = array<i32>} : memref<128x64xf32, #tpu.memory_space<vmem>>, vector<16xf32>,
    }
    %scan3A_26 = arith.constant 128 : i32
    %scan3A_27 = arith.constant 0 : i32
    %scan3A_28 = arith.constant 5 : i32
    %scan3A_29 = arith.addi %scan3A_27, %scan3A_28 : i32
    %scan3A_30 = arith.constant 1 : i32
    scf.for %scan3A_73 = %scan3A_27 to %scan3A_29 step %scan3A_30  : i32 {
      %mul3A_74 = arith.constant 1 : i32
      %mul3A_75 = arith.muli %scan3A_73, %mul3A_74 : i32
      %add3A_76 = arith.constant 0 : i32
      %add3A_77 = arith.addi %add3A_76, %mul3A_75 : i32
      %mul3A_78 = arith.constant 128 : i32
      %mul3A_79 = arith.muli %add3A_77, %mul3A_78 : i32
      %add3A_80 = arith.addi %mul3A_2, %mul3A_79 : i32
      "tpu.region"() ({
        %run_scoped3A = tpu.sem_alloc : memref<!tpu.dma_semaphore, #tpu.memory_space<semaphore_mem>>
        %dma_start3A_81 = arith.constant 0 : i32
        %dma_start3A_82 = tpu.memref_slice %arg16[%add3A_80, %dma_start3A_81] : memref<10240x64xf32, #tpu.memory_space<vmem_shared>> -> memref<128x64xf32, #tpu.memory_space<vmem_shared>>
        %dma_start3A_83 = arith.constant 0 : i32
        %dma_start3A_84 = tpu.memref_slice %arg16[%add3A_80, %dma_start3A_83] : memref<10240x64xf32, #tpu.memory_space<vmem_shared>> -> memref<128x64xf32, #tpu.memory_space<vmem_shared>>
        tpu.enqueue_dma source(%arg9 : memref<128x64xf32, #tpu.memory_space<vmem>>) target(%dma_start3A_84 : memref<128x64xf32, #tpu.memory_space<vmem_shared>>) target_semaphore(%run_scoped3A : memref<!tpu.dma_semaphore, #tpu.memory_space<semaphore_mem>>)
        %dma_wait3A = arith.constant 0 : i32
        %dma_wait3A_85 = tpu.memref_slice %arg16[%add3A_80, %dma_wait3A] : memref<10240x64xf32, #tpu.memory_space<vmem_shared>> -> memref<128x64xf32, #tpu.memory_space<vmem_shared>>
        %dma_wait3A_86 = arith.constant 0 : i32
        %dma_wait3A_87 = tpu.memref_slice %arg16[%add3A_80, %dma_wait3A_86] : memref<10240x64xf32, #tpu.memory_space<vmem_shared>> -> memref<128x64xf32, #tpu.memory_space<vmem_shared>>
        tpu.wait_dma2 semaphore(%run_scoped3A : memref<!tpu.dma_semaphore, #tpu.memory_space<semaphore_mem>>) src(%arg9 : memref<128x64xf32, #tpu.memory_space<vmem>>) dst(%dma_wait3A_87 : memref<128x64xf32, #tpu.memory_space<vmem_shared>>)
        tpu.yield
      }) : () -> ()
    }
    %scan3A_31 = arith.constant 5 : i32
    %mul3A_32 = arith.constant 40 : i32
    %mul3A_33 = arith.muli %arg1, %mul3A_32 : i32
    "tpu.region"() ({
      %run_scoped3A = tpu.sem_alloc : memref<!tpu.dma_semaphore, #tpu.memory_space<semaphore_mem>>
      %dma_start3A_73 = arith.constant 0 : i32
      %dma_start3A_74 = tpu.memref_slice %arg17[%mul3A_33, %dma_start3A_73] : memref<640x16xf32, #tpu.memory_space<vmem_shared>> -> memref<40x16xf32, #tpu.memory_space<vmem_shared>>
      %dma_start3A_75 = arith.constant 0 : i32
      %dma_start3A_76 = tpu.memref_slice %arg17[%mul3A_33, %dma_start3A_75] : memref<640x16xf32, #tpu.memory_space<vmem_shared>> -> memref<40x16xf32, #tpu.memory_space<vmem_shared>>
      tpu.enqueue_dma source(%arg15 : memref<40x16xf32, #tpu.memory_space<vmem>>) target(%dma_start3A_76 : memref<40x16xf32, #tpu.memory_space<vmem_shared>>) target_semaphore(%run_scoped3A : memref<!tpu.dma_semaphore, #tpu.memory_space<semaphore_mem>>)
      %dma_wait3A = arith.constant 0 : i32
      %dma_wait3A_77 = tpu.memref_slice %arg17[%mul3A_33, %dma_wait3A] : memref<640x16xf32, #tpu.memory_space<vmem_shared>> -> memref<40x16xf32, #tpu.memory_space<vmem_shared>>
      %dma_wait3A_78 = arith.constant 0 : i32
      %dma_wait3A_79 = tpu.memref_slice %arg17[%mul3A_33, %dma_wait3A_78] : memref<640x16xf32, #tpu.memory_space<vmem_shared>> -> memref<40x16xf32, #tpu.memory_space<vmem_shared>>
      tpu.wait_dma2 semaphore(%run_scoped3A : memref<!tpu.dma_semaphore, #tpu.memory_space<semaphore_mem>>) src(%arg15 : memref<40x16xf32, #tpu.memory_space<vmem>>) dst(%dma_wait3A_79 : memref<40x16xf32, #tpu.memory_space<vmem_shared>>)
      tpu.yield
    }) : () -> ()
    %barrier3A = arith.constant 0 : index
    tpu.barrier barrier_id(%barrier3A)
    %dma_start3A = arith.constant 0 : i32
    %dma_start3A_34 = tpu.memref_slice %arg7[%dma_start3A] : memref<10240xi32, #tpu.memory_space<vmem>> -> memref<128xi32, #tpu.memory_space<vmem>>
    %dma_start3A_35 = arith.constant 0 : i32
    %dma_start3A_36 = arith.constant 0 : i32
    %dma_start3A_37 = tpu.memref_slice %arg2[%dma_start3A_35, %dma_start3A_36] : memref<10000x64xf32, #tpu.memory_space<hbm>> -> memref<10000x64xf32, #tpu.memory_space<hbm>>
    tpu.enqueue_indirect_dma source(%dma_start3A_37 : memref<10000x64xf32, #tpu.memory_space<hbm>>) target(%arg9 : memref<128x64xf32, #tpu.memory_space<vmem>>) offsets(%dma_start3A_34 : memref<128xi32, #tpu.memory_space<vmem>>) semaphore(%arg18 : memref<!tpu.dma_semaphore, #tpu.memory_space<semaphore_mem>>)
    %dma_start3A_38 = arith.constant 128 : i32
    %dma_start3A_39 = tpu.memref_slice %arg7[%dma_start3A_38] : memref<10240xi32, #tpu.memory_space<vmem>> -> memref<128xi32, #tpu.memory_space<vmem>>
    %dma_start3A_40 = arith.constant 0 : i32
    %dma_start3A_41 = arith.constant 0 : i32
    %dma_start3A_42 = tpu.memref_slice %arg2[%dma_start3A_40, %dma_start3A_41] : memref<10000x64xf32, #tpu.memory_space<hbm>> -> memref<10000x64xf32, #tpu.memory_space<hbm>>
    tpu.enqueue_indirect_dma source(%dma_start3A_42 : memref<10000x64xf32, #tpu.memory_space<hbm>>) target(%arg10 : memref<128x64xf32, #tpu.memory_space<vmem>>) offsets(%dma_start3A_39 : memref<128xi32, #tpu.memory_space<vmem>>) semaphore(%arg19 : memref<!tpu.dma_semaphore, #tpu.memory_space<semaphore_mem>>)
    %dma_start3A_43 = arith.constant 256 : i32
    %dma_start3A_44 = tpu.memref_slice %arg7[%dma_start3A_43] : memref<10240xi32, #tpu.memory_space<vmem>> -> memref<128xi32, #tpu.memory_space<vmem>>
    %dma_start3A_45 = arith.constant 0 : i32
    %dma_start3A_46 = arith.constant 0 : i32
    %dma_start3A_47 = tpu.memref_slice %arg2[%dma_start3A_45, %dma_start3A_46] : memref<10000x64xf32, #tpu.memory_space<hbm>> -> memref<10000x64xf32, #tpu.memory_space<hbm>>
    tpu.enqueue_indirect_dma source(%dma_start3A_47 : memref<10000x64xf32, #tpu.memory_space<hbm>>) target(%arg11 : memref<128x64xf32, #tpu.memory_space<vmem>>) offsets(%dma_start3A_44 : memref<128xi32, #tpu.memory_space<vmem>>) semaphore(%arg20 : memref<!tpu.dma_semaphore, #tpu.memory_space<semaphore_mem>>)
    %dma_start3A_48 = arith.constant 384 : i32
    %dma_start3A_49 = tpu.memref_slice %arg7[%dma_start3A_48] : memref<10240xi32, #tpu.memory_space<vmem>> -> memref<128xi32, #tpu.memory_space<vmem>>
    %dma_start3A_50 = arith.constant 0 : i32
    %dma_start3A_51 = arith.constant 0 : i32
    %dma_start3A_52 = tpu.memref_slice %arg2[%dma_start3A_50, %dma_start3A_51] : memref<10000x64xf32, #tpu.memory_space<hbm>> -> memref<10000x64xf32, #tpu.memory_space<hbm>>
    tpu.enqueue_indirect_dma source(%dma_start3A_52 : memref<10000x64xf32, #tpu.memory_space<hbm>>) target(%arg12 : memref<128x64xf32, #tpu.memory_space<vmem>>) offsets(%dma_start3A_49 : memref<128xi32, #tpu.memory_space<vmem>>) semaphore(%arg21 : memref<!tpu.dma_semaphore, #tpu.memory_space<semaphore_mem>>)
    %scan3A_53 = arith.constant 0 : i32
    %scan3A_54 = arith.constant 20 : i32
    %scan3A_55 = arith.addi %scan3A_53, %scan3A_54 : i32
    %scan3A_56 = arith.constant 1 : i32
    scf.for %scan3A_73 = %scan3A_53 to %scan3A_55 step %scan3A_56  : i32 {
      %mul3A_74 = arith.constant 4 : i32
      %mul3A_75 = arith.muli %scan3A_73, %mul3A_74 : i32
      %add3A_76 = arith.constant 0 : i32
      %add3A_77 = arith.addi %add3A_76, %mul3A_75 : i32
      %add3A_78 = arith.constant 0 : i32
      %add3A_79 = arith.addi %add3A_77, %add3A_78 : i32
      %mul3A_80 = arith.constant 128 : i32
      %mul3A_81 = arith.muli %add3A_79, %mul3A_80 : i32
      %dma_wait3A = tpu.memref_slice %arg7[%mul3A_81] : memref<10240xi32, #tpu.memory_space<vmem>> -> memref<128xi32, #tpu.memory_space<vmem>>
      %dma_wait3A_82 = arith.constant 0 : i32
      %dma_wait3A_83 = arith.constant 0 : i32
      %dma_wait3A_84 = tpu.memref_slice %arg2[%dma_wait3A_82, %dma_wait3A_83] : memref<10000x64xf32, #tpu.memory_space<hbm>> -> memref<10000x64xf32, #tpu.memory_space<hbm>>
      tpu.wait_indirect_dma semaphore(%arg18 : memref<!tpu.dma_semaphore, #tpu.memory_space<semaphore_mem>>) src(%dma_wait3A_84 : memref<10000x64xf32, #tpu.memory_space<hbm>>) dst(%arg9 : memref<128x64xf32, #tpu.memory_space<vmem>>)
      "tpu.region"() ({
        %run_scoped3A = tpu.sem_alloc : memref<!tpu.dma_semaphore, #tpu.memory_space<semaphore_mem>>
        %dma_start3A_459 = tpu.memref_slice %arg8[%mul3A_81] : memref<10240xi32, #tpu.memory_space<vmem>> -> memref<128xi32, #tpu.memory_space<vmem>>
        %dma_start3A_460 = arith.constant 0 : i32
        %dma_start3A_461 = arith.constant 0 : i32
        %dma_start3A_462 = tpu.memref_slice %arg16[%dma_start3A_460, %dma_start3A_461] : memref<10240x64xf32, #tpu.memory_space<vmem_shared>> -> memref<10240x64xf32, #tpu.memory_space<vmem_shared>>
        tpu.enqueue_indirect_dma source(%arg9 : memref<128x64xf32, #tpu.memory_space<vmem>>) target(%dma_start3A_462 : memref<10240x64xf32, #tpu.memory_space<vmem_shared>>) offsets(%dma_start3A_459 : memref<128xi32, #tpu.memory_space<vmem>>) semaphore(%run_scoped3A : memref<!tpu.dma_semaphore, #tpu.memory_space<semaphore_mem>>) {add = true}
        %dma_wait3A_463 = tpu.memref_slice %arg8[%mul3A_81] : memref<10240xi32, #tpu.memory_space<vmem>> -> memref<128xi32, #tpu.memory_space<vmem>>
        %dma_wait3A_464 = arith.constant 0 : i32
        %dma_wait3A_465 = arith.constant 0 : i32
        %dma_wait3A_466 = tpu.memref_slice %arg16[%dma_wait3A_464, %dma_wait3A_465] : memref<10240x64xf32, #tpu.memory_space<vmem_shared>> -> memref<10240x64xf32, #tpu.memory_space<vmem_shared>>
        tpu.wait_indirect_dma semaphore(%run_scoped3A : memref<!tpu.dma_semaphore, #tpu.memory_space<semaphore_mem>>) src(%arg9 : memref<128x64xf32, #tpu.memory_space<vmem>>) dst(%dma_wait3A_466 : memref<10240x64xf32, #tpu.memory_space<vmem_shared>>)
        tpu.yield
      }) : () -> ()
      %add3A_85 = arith.constant 0 : i32
      %add3A_86 = arith.addi %add3A_77, %add3A_85 : i32
      %add3A_87 = arith.constant 4 : i32
      %add3A_88 = arith.addi %add3A_86, %add3A_87 : i32
      %lt3A = arith.constant 80 : i32
      %lt3A_89 = arith.cmpi slt, %add3A_88, %lt3A : i32
      %convert_element_type3A = arith.extui %lt3A_89 : i1 to i32
      %cond3A = arith.constant 0 : i32
      %cond3A_90 = arith.cmpi ne, %convert_element_type3A, %cond3A : i32
      scf.if %cond3A_90 {
        %add3A_459 = arith.constant 512 : i32
        %add3A_460 = arith.addi %mul3A_81, %add3A_459 : i32
        %dma_start3A_461 = tpu.memref_slice %arg7[%add3A_460] : memref<10240xi32, #tpu.memory_space<vmem>> -> memref<128xi32, #tpu.memory_space<vmem>>
        %dma_start3A_462 = arith.constant 0 : i32
        %dma_start3A_463 = arith.constant 0 : i32
        %dma_start3A_464 = tpu.memref_slice %arg2[%dma_start3A_462, %dma_start3A_463] : memref<10000x64xf32, #tpu.memory_space<hbm>> -> memref<10000x64xf32, #tpu.memory_space<hbm>>
        tpu.enqueue_indirect_dma source(%dma_start3A_464 : memref<10000x64xf32, #tpu.memory_space<hbm>>) target(%arg9 : memref<128x64xf32, #tpu.memory_space<vmem>>) offsets(%dma_start3A_461 : memref<128xi32, #tpu.memory_space<vmem>>) semaphore(%arg18 : memref<!tpu.dma_semaphore, #tpu.memory_space<semaphore_mem>>)
      } else {
      }
      %add3A_91 = arith.constant 0 : i32
      %add3A_92 = arith.addi %mul3A_81, %add3A_91 : i32
      %get3A = arith.index_cast %add3A_92 : i32 to index
      %get3A_93 = tpu.vector_load %arg8[%get3A] {strides = array<i32>} : memref<10240xi32, #tpu.memory_space<vmem>>, vector<16xi32>,
      %shift_right_arithmetic3A = arith.constant 4 : i32
      %shift_right_arithmetic3A_94 = vector.broadcast %shift_right_arithmetic3A : i32 to vector<16xi32>
      %shift_right_arithmetic3A_95 = arith.shrsi %get3A_93, %shift_right_arithmetic3A_94 : vector<16xi32>
      %and3A = arith.constant 15 : i32
      %and3A_96 = vector.broadcast %and3A : i32 to vector<16xi32>
      %and3A_97 = arith.andi %get3A_93, %and3A_96 : vector<16xi32>
      tpu.vector_store_idx %arg13[%shift_right_arithmetic3A_95, %and3A_97], %broadcast_in_dim3A_3 {add = true} : memref<640x16xf32, #tpu.memory_space<vmem>>[vector<16xi32>, vector<16xi32>], vector<16xf32>,
      %add3A_98 = arith.constant 16 : i32
      %add3A_99 = arith.addi %mul3A_81, %add3A_98 : i32
      %get3A_100 = arith.index_cast %add3A_99 : i32 to index
      %get3A_101 = tpu.vector_load %arg8[%get3A_100] {strides = array<i32>} : memref<10240xi32, #tpu.memory_space<vmem>>, vector<16xi32>,
      %shift_right_arithmetic3A_102 = arith.constant 4 : i32
      %shift_right_arithmetic3A_103 = vector.broadcast %shift_right_arithmetic3A_102 : i32 to vector<16xi32>
      %shift_right_arithmetic3A_104 = arith.shrsi %get3A_101, %shift_right_arithmetic3A_103 : vector<16xi32>
      %and3A_105 = arith.constant 15 : i32
      %and3A_106 = vector.broadcast %and3A_105 : i32 to vector<16xi32>
      %and3A_107 = arith.andi %get3A_101, %and3A_106 : vector<16xi32>
      tpu.vector_store_idx %arg13[%shift_right_arithmetic3A_104, %and3A_107], %broadcast_in_dim3A_3 {add = true} : memref<640x16xf32, #tpu.memory_space<vmem>>[vector<16xi32>, vector<16xi32>], vector<16xf32>,
      %add3A_108 = arith.constant 32 : i32
      %add3A_109 = arith.addi %mul3A_81, %add3A_108 : i32
      %get3A_110 = arith.index_cast %add3A_109 : i32 to index
      %get3A_111 = tpu.vector_load %arg8[%get3A_110] {strides = array<i32>} : memref<10240xi32, #tpu.memory_space<vmem>>, vector<16xi32>,
      %shift_right_arithmetic3A_112 = arith.constant 4 : i32
      %shift_right_arithmetic3A_113 = vector.broadcast %shift_right_arithmetic3A_112 : i32 to vector<16xi32>
      %shift_right_arithmetic3A_114 = arith.shrsi %get3A_111, %shift_right_arithmetic3A_113 : vector<16xi32>
      %and3A_115 = arith.constant 15 : i32
      %and3A_116 = vector.broadcast %and3A_115 : i32 to vector<16xi32>
      %and3A_117 = arith.andi %get3A_111, %and3A_116 : vector<16xi32>
      tpu.vector_store_idx %arg13[%shift_right_arithmetic3A_114, %and3A_117], %broadcast_in_dim3A_3 {add = true} : memref<640x16xf32, #tpu.memory_space<vmem>>[vector<16xi32>, vector<16xi32>], vector<16xf32>,
      %add3A_118 = arith.constant 48 : i32
      %add3A_119 = arith.addi %mul3A_81, %add3A_118 : i32
      %get3A_120 = arith.index_cast %add3A_119 : i32 to index
      %get3A_121 = tpu.vector_load %arg8[%get3A_120] {strides = array<i32>} : memref<10240xi32, #tpu.memory_space<vmem>>, vector<16xi32>,
      %shift_right_arithmetic3A_122 = arith.constant 4 : i32
      %shift_right_arithmetic3A_123 = vector.broadcast %shift_right_arithmetic3A_122 : i32 to vector<16xi32>
      %shift_right_arithmetic3A_124 = arith.shrsi %get3A_121, %shift_right_arithmetic3A_123 : vector<16xi32>
      %and3A_125 = arith.constant 15 : i32
      %and3A_126 = vector.broadcast %and3A_125 : i32 to vector<16xi32>
      %and3A_127 = arith.andi %get3A_121, %and3A_126 : vector<16xi32>
      tpu.vector_store_idx %arg13[%shift_right_arithmetic3A_124, %and3A_127], %broadcast_in_dim3A_3 {add = true} : memref<640x16xf32, #tpu.memory_space<vmem>>[vector<16xi32>, vector<16xi32>], vector<16xf32>,
      %add3A_128 = arith.constant 64 : i32
      %add3A_129 = arith.addi %mul3A_81, %add3A_128 : i32
      %get3A_130 = arith.index_cast %add3A_129 : i32 to index
      %get3A_131 = tpu.vector_load %arg8[%get3A_130] {strides = array<i32>} : memref<10240xi32, #tpu.memory_space<vmem>>, vector<16xi32>,
      %shift_right_arithmetic3A_132 = arith.constant 4 : i32
      %shift_right_arithmetic3A_133 = vector.broadcast %shift_right_arithmetic3A_132 : i32 to vector<16xi32>
      %shift_right_arithmetic3A_134 = arith.shrsi %get3A_131, %shift_right_arithmetic3A_133 : vector<16xi32>
      %and3A_135 = arith.constant 15 : i32
      %and3A_136 = vector.broadcast %and3A_135 : i32 to vector<16xi32>
      %and3A_137 = arith.andi %get3A_131, %and3A_136 : vector<16xi32>
      tpu.vector_store_idx %arg13[%shift_right_arithmetic3A_134, %and3A_137], %broadcast_in_dim3A_3 {add = true} : memref<640x16xf32, #tpu.memory_space<vmem>>[vector<16xi32>, vector<16xi32>], vector<16xf32>,
      %add3A_138 = arith.constant 80 : i32
      %add3A_139 = arith.addi %mul3A_81, %add3A_138 : i32
      %get3A_140 = arith.index_cast %add3A_139 : i32 to index
      %get3A_141 = tpu.vector_load %arg8[%get3A_140] {strides = array<i32>} : memref<10240xi32, #tpu.memory_space<vmem>>, vector<16xi32>,
      %shift_right_arithmetic3A_142 = arith.constant 4 : i32
      %shift_right_arithmetic3A_143 = vector.broadcast %shift_right_arithmetic3A_142 : i32 to vector<16xi32>
      %shift_right_arithmetic3A_144 = arith.shrsi %get3A_141, %shift_right_arithmetic3A_143 : vector<16xi32>
      %and3A_145 = arith.constant 15 : i32
      %and3A_146 = vector.broadcast %and3A_145 : i32 to vector<16xi32>
      %and3A_147 = arith.andi %get3A_141, %and3A_146 : vector<16xi32>
      tpu.vector_store_idx %arg13[%shift_right_arithmetic3A_144, %and3A_147], %broadcast_in_dim3A_3 {add = true} : memref<640x16xf32, #tpu.memory_space<vmem>>[vector<16xi32>, vector<16xi32>], vector<16xf32>,
      %add3A_148 = arith.constant 96 : i32
      %add3A_149 = arith.addi %mul3A_81, %add3A_148 : i32
      %get3A_150 = arith.index_cast %add3A_149 : i32 to index
      %get3A_151 = tpu.vector_load %arg8[%get3A_150] {strides = array<i32>} : memref<10240xi32, #tpu.memory_space<vmem>>, vector<16xi32>,
      %shift_right_arithmetic3A_152 = arith.constant 4 : i32
      %shift_right_arithmetic3A_153 = vector.broadcast %shift_right_arithmetic3A_152 : i32 to vector<16xi32>
      %shift_right_arithmetic3A_154 = arith.shrsi %get3A_151, %shift_right_arithmetic3A_153 : vector<16xi32>
      %and3A_155 = arith.constant 15 : i32
      %and3A_156 = vector.broadcast %and3A_155 : i32 to vector<16xi32>
      %and3A_157 = arith.andi %get3A_151, %and3A_156 : vector<16xi32>
      tpu.vector_store_idx %arg13[%shift_right_arithmetic3A_154, %and3A_157], %broadcast_in_dim3A_3 {add = true} : memref<640x16xf32, #tpu.memory_space<vmem>>[vector<16xi32>, vector<16xi32>], vector<16xf32>,
      %add3A_158 = arith.constant 112 : i32
      %add3A_159 = arith.addi %mul3A_81, %add3A_158 : i32
      %get3A_160 = arith.index_cast %add3A_159 : i32 to index
      %get3A_161 = tpu.vector_load %arg8[%get3A_160] {strides = array<i32>} : memref<10240xi32, #tpu.memory_space<vmem>>, vector<16xi32>,
      %shift_right_arithmetic3A_162 = arith.constant 4 : i32
      %shift_right_arithmetic3A_163 = vector.broadcast %shift_right_arithmetic3A_162 : i32 to vector<16xi32>
      %shift_right_arithmetic3A_164 = arith.shrsi %get3A_161, %shift_right_arithmetic3A_163 : vector<16xi32>
      %and3A_165 = arith.constant 15 : i32
      %and3A_166 = vector.broadcast %and3A_165 : i32 to vector<16xi32>
      %and3A_167 = arith.andi %get3A_161, %and3A_166 : vector<16xi32>
      tpu.vector_store_idx %arg13[%shift_right_arithmetic3A_164, %and3A_167], %broadcast_in_dim3A_3 {add = true} : memref<640x16xf32, #tpu.memory_space<vmem>>[vector<16xi32>, vector<16xi32>], vector<16xf32>,
      %add3A_168 = arith.constant 1 : i32
      %add3A_169 = arith.addi %add3A_77, %add3A_168 : i32
      %mul3A_170 = arith.constant 128 : i32
      %mul3A_171 = arith.muli %add3A_169, %mul3A_170 : i32
      %dma_wait3A_172 = tpu.memref_slice %arg7[%mul3A_171] : memref<10240xi32, #tpu.memory_space<vmem>> -> memref<128xi32, #tpu.memory_space<vmem>>
      %dma_wait3A_173 = arith.constant 0 : i32
      %dma_wait3A_174 = arith.constant 0 : i32
      %dma_wait3A_175 = tpu.memref_slice %arg2[%dma_wait3A_173, %dma_wait3A_174] : memref<10000x64xf32, #tpu.memory_space<hbm>> -> memref<10000x64xf32, #tpu.memory_space<hbm>>
      tpu.wait_indirect_dma semaphore(%arg19 : memref<!tpu.dma_semaphore, #tpu.memory_space<semaphore_mem>>) src(%dma_wait3A_175 : memref<10000x64xf32, #tpu.memory_space<hbm>>) dst(%arg10 : memref<128x64xf32, #tpu.memory_space<vmem>>)
      "tpu.region"() ({
        %run_scoped3A = tpu.sem_alloc : memref<!tpu.dma_semaphore, #tpu.memory_space<semaphore_mem>>
        %dma_start3A_459 = tpu.memref_slice %arg8[%mul3A_171] : memref<10240xi32, #tpu.memory_space<vmem>> -> memref<128xi32, #tpu.memory_space<vmem>>
        %dma_start3A_460 = arith.constant 0 : i32
        %dma_start3A_461 = arith.constant 0 : i32
        %dma_start3A_462 = tpu.memref_slice %arg16[%dma_start3A_460, %dma_start3A_461] : memref<10240x64xf32, #tpu.memory_space<vmem_shared>> -> memref<10240x64xf32, #tpu.memory_space<vmem_shared>>
        tpu.enqueue_indirect_dma source(%arg10 : memref<128x64xf32, #tpu.memory_space<vmem>>) target(%dma_start3A_462 : memref<10240x64xf32, #tpu.memory_space<vmem_shared>>) offsets(%dma_start3A_459 : memref<128xi32, #tpu.memory_space<vmem>>) semaphore(%run_scoped3A : memref<!tpu.dma_semaphore, #tpu.memory_space<semaphore_mem>>) {add = true}
        %dma_wait3A_463 = tpu.memref_slice %arg8[%mul3A_171] : memref<10240xi32, #tpu.memory_space<vmem>> -> memref<128xi32, #tpu.memory_space<vmem>>
        %dma_wait3A_464 = arith.constant 0 : i32
        %dma_wait3A_465 = arith.constant 0 : i32
        %dma_wait3A_466 = tpu.memref_slice %arg16[%dma_wait3A_464, %dma_wait3A_465] : memref<10240x64xf32, #tpu.memory_space<vmem_shared>> -> memref<10240x64xf32, #tpu.memory_space<vmem_shared>>
        tpu.wait_indirect_dma semaphore(%run_scoped3A : memref<!tpu.dma_semaphore, #tpu.memory_space<semaphore_mem>>) src(%arg10 : memref<128x64xf32, #tpu.memory_space<vmem>>) dst(%dma_wait3A_466 : memref<10240x64xf32, #tpu.memory_space<vmem_shared>>)
        tpu.yield
      }) : () -> ()
      %add3A_176 = arith.constant 1 : i32
      %add3A_177 = arith.addi %add3A_77, %add3A_176 : i32
      %add3A_178 = arith.constant 4 : i32
      %add3A_179 = arith.addi %add3A_177, %add3A_178 : i32
      %lt3A_180 = arith.constant 80 : i32
      %lt3A_181 = arith.cmpi slt, %add3A_179, %lt3A_180 : i32
      %convert_element_type3A_182 = arith.extui %lt3A_181 : i1 to i32
      %cond3A_183 = arith.constant 0 : i32
      %cond3A_184 = arith.cmpi ne, %convert_element_type3A_182, %cond3A_183 : i32
      scf.if %cond3A_184 {
        %add3A_459 = arith.constant 512 : i32
        %add3A_460 = arith.addi %mul3A_171, %add3A_459 : i32
        %dma_start3A_461 = tpu.memref_slice %arg7[%add3A_460] : memref<10240xi32, #tpu.memory_space<vmem>> -> memref<128xi32, #tpu.memory_space<vmem>>
        %dma_start3A_462 = arith.constant 0 : i32
        %dma_start3A_463 = arith.constant 0 : i32
        %dma_start3A_464 = tpu.memref_slice %arg2[%dma_start3A_462, %dma_start3A_463] : memref<10000x64xf32, #tpu.memory_space<hbm>> -> memref<10000x64xf32, #tpu.memory_space<hbm>>
        tpu.enqueue_indirect_dma source(%dma_start3A_464 : memref<10000x64xf32, #tpu.memory_space<hbm>>) target(%arg10 : memref<128x64xf32, #tpu.memory_space<vmem>>) offsets(%dma_start3A_461 : memref<128xi32, #tpu.memory_space<vmem>>) semaphore(%arg19 : memref<!tpu.dma_semaphore, #tpu.memory_space<semaphore_mem>>)
      } else {
      }
      %add3A_185 = arith.constant 0 : i32
      %add3A_186 = arith.addi %mul3A_171, %add3A_185 : i32
      %get3A_187 = arith.index_cast %add3A_186 : i32 to index
      %get3A_188 = tpu.vector_load %arg8[%get3A_187] {strides = array<i32>} : memref<10240xi32, #tpu.memory_space<vmem>>, vector<16xi32>,
      %shift_right_arithmetic3A_189 = arith.constant 4 : i32
      %shift_right_arithmetic3A_190 = vector.broadcast %shift_right_arithmetic3A_189 : i32 to vector<16xi32>
      %shift_right_arithmetic3A_191 = arith.shrsi %get3A_188, %shift_right_arithmetic3A_190 : vector<16xi32>
      %and3A_192 = arith.constant 15 : i32
      %and3A_193 = vector.broadcast %and3A_192 : i32 to vector<16xi32>
      %and3A_194 = arith.andi %get3A_188, %and3A_193 : vector<16xi32>
      tpu.vector_store_idx %arg13[%shift_right_arithmetic3A_191, %and3A_194], %broadcast_in_dim3A_3 {add = true} : memref<640x16xf32, #tpu.memory_space<vmem>>[vector<16xi32>, vector<16xi32>], vector<16xf32>,
      %add3A_195 = arith.constant 16 : i32
      %add3A_196 = arith.addi %mul3A_171, %add3A_195 : i32
      %get3A_197 = arith.index_cast %add3A_196 : i32 to index
      %get3A_198 = tpu.vector_load %arg8[%get3A_197] {strides = array<i32>} : memref<10240xi32, #tpu.memory_space<vmem>>, vector<16xi32>,
      %shift_right_arithmetic3A_199 = arith.constant 4 : i32
      %shift_right_arithmetic3A_200 = vector.broadcast %shift_right_arithmetic3A_199 : i32 to vector<16xi32>
      %shift_right_arithmetic3A_201 = arith.shrsi %get3A_198, %shift_right_arithmetic3A_200 : vector<16xi32>
      %and3A_202 = arith.constant 15 : i32
      %and3A_203 = vector.broadcast %and3A_202 : i32 to vector<16xi32>
      %and3A_204 = arith.andi %get3A_198, %and3A_203 : vector<16xi32>
      tpu.vector_store_idx %arg13[%shift_right_arithmetic3A_201, %and3A_204], %broadcast_in_dim3A_3 {add = true} : memref<640x16xf32, #tpu.memory_space<vmem>>[vector<16xi32>, vector<16xi32>], vector<16xf32>,
      %add3A_205 = arith.constant 32 : i32
      %add3A_206 = arith.addi %mul3A_171, %add3A_205 : i32
      %get3A_207 = arith.index_cast %add3A_206 : i32 to index
      %get3A_208 = tpu.vector_load %arg8[%get3A_207] {strides = array<i32>} : memref<10240xi32, #tpu.memory_space<vmem>>, vector<16xi32>,
      %shift_right_arithmetic3A_209 = arith.constant 4 : i32
      %shift_right_arithmetic3A_210 = vector.broadcast %shift_right_arithmetic3A_209 : i32 to vector<16xi32>
      %shift_right_arithmetic3A_211 = arith.shrsi %get3A_208, %shift_right_arithmetic3A_210 : vector<16xi32>
      %and3A_212 = arith.constant 15 : i32
      %and3A_213 = vector.broadcast %and3A_212 : i32 to vector<16xi32>
      %and3A_214 = arith.andi %get3A_208, %and3A_213 : vector<16xi32>
      tpu.vector_store_idx %arg13[%shift_right_arithmetic3A_211, %and3A_214], %broadcast_in_dim3A_3 {add = true} : memref<640x16xf32, #tpu.memory_space<vmem>>[vector<16xi32>, vector<16xi32>], vector<16xf32>,
      %add3A_215 = arith.constant 48 : i32
      %add3A_216 = arith.addi %mul3A_171, %add3A_215 : i32
      %get3A_217 = arith.index_cast %add3A_216 : i32 to index
      %get3A_218 = tpu.vector_load %arg8[%get3A_217] {strides = array<i32>} : memref<10240xi32, #tpu.memory_space<vmem>>, vector<16xi32>,
      %shift_right_arithmetic3A_219 = arith.constant 4 : i32
      %shift_right_arithmetic3A_220 = vector.broadcast %shift_right_arithmetic3A_219 : i32 to vector<16xi32>
      %shift_right_arithmetic3A_221 = arith.shrsi %get3A_218, %shift_right_arithmetic3A_220 : vector<16xi32>
      %and3A_222 = arith.constant 15 : i32
      %and3A_223 = vector.broadcast %and3A_222 : i32 to vector<16xi32>
      %and3A_224 = arith.andi %get3A_218, %and3A_223 : vector<16xi32>
      tpu.vector_store_idx %arg13[%shift_right_arithmetic3A_221, %and3A_224], %broadcast_in_dim3A_3 {add = true} : memref<640x16xf32, #tpu.memory_space<vmem>>[vector<16xi32>, vector<16xi32>], vector<16xf32>,
      %add3A_225 = arith.constant 64 : i32
      %add3A_226 = arith.addi %mul3A_171, %add3A_225 : i32
      %get3A_227 = arith.index_cast %add3A_226 : i32 to index
      %get3A_228 = tpu.vector_load %arg8[%get3A_227] {strides = array<i32>} : memref<10240xi32, #tpu.memory_space<vmem>>, vector<16xi32>,
      %shift_right_arithmetic3A_229 = arith.constant 4 : i32
      %shift_right_arithmetic3A_230 = vector.broadcast %shift_right_arithmetic3A_229 : i32 to vector<16xi32>
      %shift_right_arithmetic3A_231 = arith.shrsi %get3A_228, %shift_right_arithmetic3A_230 : vector<16xi32>
      %and3A_232 = arith.constant 15 : i32
      %and3A_233 = vector.broadcast %and3A_232 : i32 to vector<16xi32>
      %and3A_234 = arith.andi %get3A_228, %and3A_233 : vector<16xi32>
      tpu.vector_store_idx %arg13[%shift_right_arithmetic3A_231, %and3A_234], %broadcast_in_dim3A_3 {add = true} : memref<640x16xf32, #tpu.memory_space<vmem>>[vector<16xi32>, vector<16xi32>], vector<16xf32>,
      %add3A_235 = arith.constant 80 : i32
      %add3A_236 = arith.addi %mul3A_171, %add3A_235 : i32
      %get3A_237 = arith.index_cast %add3A_236 : i32 to index
      %get3A_238 = tpu.vector_load %arg8[%get3A_237] {strides = array<i32>} : memref<10240xi32, #tpu.memory_space<vmem>>, vector<16xi32>,
      %shift_right_arithmetic3A_239 = arith.constant 4 : i32
      %shift_right_arithmetic3A_240 = vector.broadcast %shift_right_arithmetic3A_239 : i32 to vector<16xi32>
      %shift_right_arithmetic3A_241 = arith.shrsi %get3A_238, %shift_right_arithmetic3A_240 : vector<16xi32>
      %and3A_242 = arith.constant 15 : i32
      %and3A_243 = vector.broadcast %and3A_242 : i32 to vector<16xi32>
      %and3A_244 = arith.andi %get3A_238, %and3A_243 : vector<16xi32>
      tpu.vector_store_idx %arg13[%shift_right_arithmetic3A_241, %and3A_244], %broadcast_in_dim3A_3 {add = true} : memref<640x16xf32, #tpu.memory_space<vmem>>[vector<16xi32>, vector<16xi32>], vector<16xf32>,
      %add3A_245 = arith.constant 96 : i32
      %add3A_246 = arith.addi %mul3A_171, %add3A_245 : i32
      %get3A_247 = arith.index_cast %add3A_246 : i32 to index
      %get3A_248 = tpu.vector_load %arg8[%get3A_247] {strides = array<i32>} : memref<10240xi32, #tpu.memory_space<vmem>>, vector<16xi32>,
      %shift_right_arithmetic3A_249 = arith.constant 4 : i32
      %shift_right_arithmetic3A_250 = vector.broadcast %shift_right_arithmetic3A_249 : i32 to vector<16xi32>
      %shift_right_arithmetic3A_251 = arith.shrsi %get3A_248, %shift_right_arithmetic3A_250 : vector<16xi32>
      %and3A_252 = arith.constant 15 : i32
      %and3A_253 = vector.broadcast %and3A_252 : i32 to vector<16xi32>
      %and3A_254 = arith.andi %get3A_248, %and3A_253 : vector<16xi32>
      tpu.vector_store_idx %arg13[%shift_right_arithmetic3A_251, %and3A_254], %broadcast_in_dim3A_3 {add = true} : memref<640x16xf32, #tpu.memory_space<vmem>>[vector<16xi32>, vector<16xi32>], vector<16xf32>,
      %add3A_255 = arith.constant 112 : i32
      %add3A_256 = arith.addi %mul3A_171, %add3A_255 : i32
      %get3A_257 = arith.index_cast %add3A_256 : i32 to index
      %get3A_258 = tpu.vector_load %arg8[%get3A_257] {strides = array<i32>} : memref<10240xi32, #tpu.memory_space<vmem>>, vector<16xi32>,
      %shift_right_arithmetic3A_259 = arith.constant 4 : i32
      %shift_right_arithmetic3A_260 = vector.broadcast %shift_right_arithmetic3A_259 : i32 to vector<16xi32>
      %shift_right_arithmetic3A_261 = arith.shrsi %get3A_258, %shift_right_arithmetic3A_260 : vector<16xi32>
      %and3A_262 = arith.constant 15 : i32
      %and3A_263 = vector.broadcast %and3A_262 : i32 to vector<16xi32>
      %and3A_264 = arith.andi %get3A_258, %and3A_263 : vector<16xi32>
      tpu.vector_store_idx %arg13[%shift_right_arithmetic3A_261, %and3A_264], %broadcast_in_dim3A_3 {add = true} : memref<640x16xf32, #tpu.memory_space<vmem>>[vector<16xi32>, vector<16xi32>], vector<16xf32>,
      %add3A_265 = arith.constant 2 : i32
      %add3A_266 = arith.addi %add3A_77, %add3A_265 : i32
      %mul3A_267 = arith.constant 128 : i32
      %mul3A_268 = arith.muli %add3A_266, %mul3A_267 : i32
      %dma_wait3A_269 = tpu.memref_slice %arg7[%mul3A_268] : memref<10240xi32, #tpu.memory_space<vmem>> -> memref<128xi32, #tpu.memory_space<vmem>>
      %dma_wait3A_270 = arith.constant 0 : i32
      %dma_wait3A_271 = arith.constant 0 : i32
      %dma_wait3A_272 = tpu.memref_slice %arg2[%dma_wait3A_270, %dma_wait3A_271] : memref<10000x64xf32, #tpu.memory_space<hbm>> -> memref<10000x64xf32, #tpu.memory_space<hbm>>
      tpu.wait_indirect_dma semaphore(%arg20 : memref<!tpu.dma_semaphore, #tpu.memory_space<semaphore_mem>>) src(%dma_wait3A_272 : memref<10000x64xf32, #tpu.memory_space<hbm>>) dst(%arg11 : memref<128x64xf32, #tpu.memory_space<vmem>>)
      "tpu.region"() ({
        %run_scoped3A = tpu.sem_alloc : memref<!tpu.dma_semaphore, #tpu.memory_space<semaphore_mem>>
        %dma_start3A_459 = tpu.memref_slice %arg8[%mul3A_268] : memref<10240xi32, #tpu.memory_space<vmem>> -> memref<128xi32, #tpu.memory_space<vmem>>
        %dma_start3A_460 = arith.constant 0 : i32
        %dma_start3A_461 = arith.constant 0 : i32
        %dma_start3A_462 = tpu.memref_slice %arg16[%dma_start3A_460, %dma_start3A_461] : memref<10240x64xf32, #tpu.memory_space<vmem_shared>> -> memref<10240x64xf32, #tpu.memory_space<vmem_shared>>
        tpu.enqueue_indirect_dma source(%arg11 : memref<128x64xf32, #tpu.memory_space<vmem>>) target(%dma_start3A_462 : memref<10240x64xf32, #tpu.memory_space<vmem_shared>>) offsets(%dma_start3A_459 : memref<128xi32, #tpu.memory_space<vmem>>) semaphore(%run_scoped3A : memref<!tpu.dma_semaphore, #tpu.memory_space<semaphore_mem>>) {add = true}
        %dma_wait3A_463 = tpu.memref_slice %arg8[%mul3A_268] : memref<10240xi32, #tpu.memory_space<vmem>> -> memref<128xi32, #tpu.memory_space<vmem>>
        %dma_wait3A_464 = arith.constant 0 : i32
        %dma_wait3A_465 = arith.constant 0 : i32
        %dma_wait3A_466 = tpu.memref_slice %arg16[%dma_wait3A_464, %dma_wait3A_465] : memref<10240x64xf32, #tpu.memory_space<vmem_shared>> -> memref<10240x64xf32, #tpu.memory_space<vmem_shared>>
        tpu.wait_indirect_dma semaphore(%run_scoped3A : memref<!tpu.dma_semaphore, #tpu.memory_space<semaphore_mem>>) src(%arg11 : memref<128x64xf32, #tpu.memory_space<vmem>>) dst(%dma_wait3A_466 : memref<10240x64xf32, #tpu.memory_space<vmem_shared>>)
        tpu.yield
      }) : () -> ()
      %add3A_273 = arith.constant 2 : i32
      %add3A_274 = arith.addi %add3A_77, %add3A_273 : i32
      %add3A_275 = arith.constant 4 : i32
      %add3A_276 = arith.addi %add3A_274, %add3A_275 : i32
      %lt3A_277 = arith.constant 80 : i32
      %lt3A_278 = arith.cmpi slt, %add3A_276, %lt3A_277 : i32
      %convert_element_type3A_279 = arith.extui %lt3A_278 : i1 to i32
      %cond3A_280 = arith.constant 0 : i32
      %cond3A_281 = arith.cmpi ne, %convert_element_type3A_279, %cond3A_280 : i32
      scf.if %cond3A_281 {
        %add3A_459 = arith.constant 512 : i32
        %add3A_460 = arith.addi %mul3A_268, %add3A_459 : i32
        %dma_start3A_461 = tpu.memref_slice %arg7[%add3A_460] : memref<10240xi32, #tpu.memory_space<vmem>> -> memref<128xi32, #tpu.memory_space<vmem>>
        %dma_start3A_462 = arith.constant 0 : i32
        %dma_start3A_463 = arith.constant 0 : i32
        %dma_start3A_464 = tpu.memref_slice %arg2[%dma_start3A_462, %dma_start3A_463] : memref<10000x64xf32, #tpu.memory_space<hbm>> -> memref<10000x64xf32, #tpu.memory_space<hbm>>
        tpu.enqueue_indirect_dma source(%dma_start3A_464 : memref<10000x64xf32, #tpu.memory_space<hbm>>) target(%arg11 : memref<128x64xf32, #tpu.memory_space<vmem>>) offsets(%dma_start3A_461 : memref<128xi32, #tpu.memory_space<vmem>>) semaphore(%arg20 : memref<!tpu.dma_semaphore, #tpu.memory_space<semaphore_mem>>)
      } else {
      }
      %add3A_282 = arith.constant 0 : i32
      %add3A_283 = arith.addi %mul3A_268, %add3A_282 : i32
      %get3A_284 = arith.index_cast %add3A_283 : i32 to index
      %get3A_285 = tpu.vector_load %arg8[%get3A_284] {strides = array<i32>} : memref<10240xi32, #tpu.memory_space<vmem>>, vector<16xi32>,
      %shift_right_arithmetic3A_286 = arith.constant 4 : i32
      %shift_right_arithmetic3A_287 = vector.broadcast %shift_right_arithmetic3A_286 : i32 to vector<16xi32>
      %shift_right_arithmetic3A_288 = arith.shrsi %get3A_285, %shift_right_arithmetic3A_287 : vector<16xi32>
      %and3A_289 = arith.constant 15 : i32
      %and3A_290 = vector.broadcast %and3A_289 : i32 to vector<16xi32>
      %and3A_291 = arith.andi %get3A_285, %and3A_290 : vector<16xi32>
      tpu.vector_store_idx %arg13[%shift_right_arithmetic3A_288, %and3A_291], %broadcast_in_dim3A_3 {add = true} : memref<640x16xf32, #tpu.memory_space<vmem>>[vector<16xi32>, vector<16xi32>], vector<16xf32>,
      %add3A_292 = arith.constant 16 : i32
      %add3A_293 = arith.addi %mul3A_268, %add3A_292 : i32
      %get3A_294 = arith.index_cast %add3A_293 : i32 to index
      %get3A_295 = tpu.vector_load %arg8[%get3A_294] {strides = array<i32>} : memref<10240xi32, #tpu.memory_space<vmem>>, vector<16xi32>,
      %shift_right_arithmetic3A_296 = arith.constant 4 : i32
      %shift_right_arithmetic3A_297 = vector.broadcast %shift_right_arithmetic3A_296 : i32 to vector<16xi32>
      %shift_right_arithmetic3A_298 = arith.shrsi %get3A_295, %shift_right_arithmetic3A_297 : vector<16xi32>
      %and3A_299 = arith.constant 15 : i32
      %and3A_300 = vector.broadcast %and3A_299 : i32 to vector<16xi32>
      %and3A_301 = arith.andi %get3A_295, %and3A_300 : vector<16xi32>
      tpu.vector_store_idx %arg13[%shift_right_arithmetic3A_298, %and3A_301], %broadcast_in_dim3A_3 {add = true} : memref<640x16xf32, #tpu.memory_space<vmem>>[vector<16xi32>, vector<16xi32>], vector<16xf32>,
      %add3A_302 = arith.constant 32 : i32
      %add3A_303 = arith.addi %mul3A_268, %add3A_302 : i32
      %get3A_304 = arith.index_cast %add3A_303 : i32 to index
      %get3A_305 = tpu.vector_load %arg8[%get3A_304] {strides = array<i32>} : memref<10240xi32, #tpu.memory_space<vmem>>, vector<16xi32>,
      %shift_right_arithmetic3A_306 = arith.constant 4 : i32
      %shift_right_arithmetic3A_307 = vector.broadcast %shift_right_arithmetic3A_306 : i32 to vector<16xi32>
      %shift_right_arithmetic3A_308 = arith.shrsi %get3A_305, %shift_right_arithmetic3A_307 : vector<16xi32>
      %and3A_309 = arith.constant 15 : i32
      %and3A_310 = vector.broadcast %and3A_309 : i32 to vector<16xi32>
      %and3A_311 = arith.andi %get3A_305, %and3A_310 : vector<16xi32>
      tpu.vector_store_idx %arg13[%shift_right_arithmetic3A_308, %and3A_311], %broadcast_in_dim3A_3 {add = true} : memref<640x16xf32, #tpu.memory_space<vmem>>[vector<16xi32>, vector<16xi32>], vector<16xf32>,
      %add3A_312 = arith.constant 48 : i32
      %add3A_313 = arith.addi %mul3A_268, %add3A_312 : i32
      %get3A_314 = arith.index_cast %add3A_313 : i32 to index
      %get3A_315 = tpu.vector_load %arg8[%get3A_314] {strides = array<i32>} : memref<10240xi32, #tpu.memory_space<vmem>>, vector<16xi32>,
      %shift_right_arithmetic3A_316 = arith.constant 4 : i32
      %shift_right_arithmetic3A_317 = vector.broadcast %shift_right_arithmetic3A_316 : i32 to vector<16xi32>
      %shift_right_arithmetic3A_318 = arith.shrsi %get3A_315, %shift_right_arithmetic3A_317 : vector<16xi32>
      %and3A_319 = arith.constant 15 : i32
      %and3A_320 = vector.broadcast %and3A_319 : i32 to vector<16xi32>
      %and3A_321 = arith.andi %get3A_315, %and3A_320 : vector<16xi32>
      tpu.vector_store_idx %arg13[%shift_right_arithmetic3A_318, %and3A_321], %broadcast_in_dim3A_3 {add = true} : memref<640x16xf32, #tpu.memory_space<vmem>>[vector<16xi32>, vector<16xi32>], vector<16xf32>,
      %add3A_322 = arith.constant 64 : i32
      %add3A_323 = arith.addi %mul3A_268, %add3A_322 : i32
      %get3A_324 = arith.index_cast %add3A_323 : i32 to index
      %get3A_325 = tpu.vector_load %arg8[%get3A_324] {strides = array<i32>} : memref<10240xi32, #tpu.memory_space<vmem>>, vector<16xi32>,
      %shift_right_arithmetic3A_326 = arith.constant 4 : i32
      %shift_right_arithmetic3A_327 = vector.broadcast %shift_right_arithmetic3A_326 : i32 to vector<16xi32>
      %shift_right_arithmetic3A_328 = arith.shrsi %get3A_325, %shift_right_arithmetic3A_327 : vector<16xi32>
      %and3A_329 = arith.constant 15 : i32
      %and3A_330 = vector.broadcast %and3A_329 : i32 to vector<16xi32>
      %and3A_331 = arith.andi %get3A_325, %and3A_330 : vector<16xi32>
      tpu.vector_store_idx %arg13[%shift_right_arithmetic3A_328, %and3A_331], %broadcast_in_dim3A_3 {add = true} : memref<640x16xf32, #tpu.memory_space<vmem>>[vector<16xi32>, vector<16xi32>], vector<16xf32>,
      %add3A_332 = arith.constant 80 : i32
      %add3A_333 = arith.addi %mul3A_268, %add3A_332 : i32
      %get3A_334 = arith.index_cast %add3A_333 : i32 to index
      %get3A_335 = tpu.vector_load %arg8[%get3A_334] {strides = array<i32>} : memref<10240xi32, #tpu.memory_space<vmem>>, vector<16xi32>,
      %shift_right_arithmetic3A_336 = arith.constant 4 : i32
      %shift_right_arithmetic3A_337 = vector.broadcast %shift_right_arithmetic3A_336 : i32 to vector<16xi32>
      %shift_right_arithmetic3A_338 = arith.shrsi %get3A_335, %shift_right_arithmetic3A_337 : vector<16xi32>
      %and3A_339 = arith.constant 15 : i32
      %and3A_340 = vector.broadcast %and3A_339 : i32 to vector<16xi32>
      %and3A_341 = arith.andi %get3A_335, %and3A_340 : vector<16xi32>
      tpu.vector_store_idx %arg13[%shift_right_arithmetic3A_338, %and3A_341], %broadcast_in_dim3A_3 {add = true} : memref<640x16xf32, #tpu.memory_space<vmem>>[vector<16xi32>, vector<16xi32>], vector<16xf32>,
      %add3A_342 = arith.constant 96 : i32
      %add3A_343 = arith.addi %mul3A_268, %add3A_342 : i32
      %get3A_344 = arith.index_cast %add3A_343 : i32 to index
      %get3A_345 = tpu.vector_load %arg8[%get3A_344] {strides = array<i32>} : memref<10240xi32, #tpu.memory_space<vmem>>, vector<16xi32>,
      %shift_right_arithmetic3A_346 = arith.constant 4 : i32
      %shift_right_arithmetic3A_347 = vector.broadcast %shift_right_arithmetic3A_346 : i32 to vector<16xi32>
      %shift_right_arithmetic3A_348 = arith.shrsi %get3A_345, %shift_right_arithmetic3A_347 : vector<16xi32>
      %and3A_349 = arith.constant 15 : i32
      %and3A_350 = vector.broadcast %and3A_349 : i32 to vector<16xi32>
      %and3A_351 = arith.andi %get3A_345, %and3A_350 : vector<16xi32>
      tpu.vector_store_idx %arg13[%shift_right_arithmetic3A_348, %and3A_351], %broadcast_in_dim3A_3 {add = true} : memref<640x16xf32, #tpu.memory_space<vmem>>[vector<16xi32>, vector<16xi32>], vector<16xf32>,
      %add3A_352 = arith.constant 112 : i32
      %add3A_353 = arith.addi %mul3A_268, %add3A_352 : i32
      %get3A_354 = arith.index_cast %add3A_353 : i32 to index
      %get3A_355 = tpu.vector_load %arg8[%get3A_354] {strides = array<i32>} : memref<10240xi32, #tpu.memory_space<vmem>>, vector<16xi32>,
      %shift_right_arithmetic3A_356 = arith.constant 4 : i32
      %shift_right_arithmetic3A_357 = vector.broadcast %shift_right_arithmetic3A_356 : i32 to vector<16xi32>
      %shift_right_arithmetic3A_358 = arith.shrsi %get3A_355, %shift_right_arithmetic3A_357 : vector<16xi32>
      %and3A_359 = arith.constant 15 : i32
      %and3A_360 = vector.broadcast %and3A_359 : i32 to vector<16xi32>
      %and3A_361 = arith.andi %get3A_355, %and3A_360 : vector<16xi32>
      tpu.vector_store_idx %arg13[%shift_right_arithmetic3A_358, %and3A_361], %broadcast_in_dim3A_3 {add = true} : memref<640x16xf32, #tpu.memory_space<vmem>>[vector<16xi32>, vector<16xi32>], vector<16xf32>,
      %add3A_362 = arith.constant 3 : i32
      %add3A_363 = arith.addi %add3A_77, %add3A_362 : i32
      %mul3A_364 = arith.constant 128 : i32
      %mul3A_365 = arith.muli %add3A_363, %mul3A_364 : i32
      %dma_wait3A_366 = tpu.memref_slice %arg7[%mul3A_365] : memref<10240xi32, #tpu.memory_space<vmem>> -> memref<128xi32, #tpu.memory_space<vmem>>
      %dma_wait3A_367 = arith.constant 0 : i32
      %dma_wait3A_368 = arith.constant 0 : i32
      %dma_wait3A_369 = tpu.memref_slice %arg2[%dma_wait3A_367, %dma_wait3A_368] : memref<10000x64xf32, #tpu.memory_space<hbm>> -> memref<10000x64xf32, #tpu.memory_space<hbm>>
      tpu.wait_indirect_dma semaphore(%arg21 : memref<!tpu.dma_semaphore, #tpu.memory_space<semaphore_mem>>) src(%dma_wait3A_369 : memref<10000x64xf32, #tpu.memory_space<hbm>>) dst(%arg12 : memref<128x64xf32, #tpu.memory_space<vmem>>)
      "tpu.region"() ({
        %run_scoped3A = tpu.sem_alloc : memref<!tpu.dma_semaphore, #tpu.memory_space<semaphore_mem>>
        %dma_start3A_459 = tpu.memref_slice %arg8[%mul3A_365] : memref<10240xi32, #tpu.memory_space<vmem>> -> memref<128xi32, #tpu.memory_space<vmem>>
        %dma_start3A_460 = arith.constant 0 : i32
        %dma_start3A_461 = arith.constant 0 : i32
        %dma_start3A_462 = tpu.memref_slice %arg16[%dma_start3A_460, %dma_start3A_461] : memref<10240x64xf32, #tpu.memory_space<vmem_shared>> -> memref<10240x64xf32, #tpu.memory_space<vmem_shared>>
        tpu.enqueue_indirect_dma source(%arg12 : memref<128x64xf32, #tpu.memory_space<vmem>>) target(%dma_start3A_462 : memref<10240x64xf32, #tpu.memory_space<vmem_shared>>) offsets(%dma_start3A_459 : memref<128xi32, #tpu.memory_space<vmem>>) semaphore(%run_scoped3A : memref<!tpu.dma_semaphore, #tpu.memory_space<semaphore_mem>>) {add = true}
        %dma_wait3A_463 = tpu.memref_slice %arg8[%mul3A_365] : memref<10240xi32, #tpu.memory_space<vmem>> -> memref<128xi32, #tpu.memory_space<vmem>>
        %dma_wait3A_464 = arith.constant 0 : i32
        %dma_wait3A_465 = arith.constant 0 : i32
        %dma_wait3A_466 = tpu.memref_slice %arg16[%dma_wait3A_464, %dma_wait3A_465] : memref<10240x64xf32, #tpu.memory_space<vmem_shared>> -> memref<10240x64xf32, #tpu.memory_space<vmem_shared>>
        tpu.wait_indirect_dma semaphore(%run_scoped3A : memref<!tpu.dma_semaphore, #tpu.memory_space<semaphore_mem>>) src(%arg12 : memref<128x64xf32, #tpu.memory_space<vmem>>) dst(%dma_wait3A_466 : memref<10240x64xf32, #tpu.memory_space<vmem_shared>>)
        tpu.yield
      }) : () -> ()
      %add3A_370 = arith.constant 3 : i32
      %add3A_371 = arith.addi %add3A_77, %add3A_370 : i32
      %add3A_372 = arith.constant 4 : i32
      %add3A_373 = arith.addi %add3A_371, %add3A_372 : i32
      %lt3A_374 = arith.constant 80 : i32
      %lt3A_375 = arith.cmpi slt, %add3A_373, %lt3A_374 : i32
      %convert_element_type3A_376 = arith.extui %lt3A_375 : i1 to i32
      %cond3A_377 = arith.constant 0 : i32
      %cond3A_378 = arith.cmpi ne, %convert_element_type3A_376, %cond3A_377 : i32
      scf.if %cond3A_378 {
        %add3A_459 = arith.constant 512 : i32
        %add3A_460 = arith.addi %mul3A_365, %add3A_459 : i32
        %dma_start3A_461 = tpu.memref_slice %arg7[%add3A_460] : memref<10240xi32, #tpu.memory_space<vmem>> -> memref<128xi32, #tpu.memory_space<vmem>>
        %dma_start3A_462 = arith.constant 0 : i32
        %dma_start3A_463 = arith.constant 0 : i32
        %dma_start3A_464 = tpu.memref_slice %arg2[%dma_start3A_462, %dma_start3A_463] : memref<10000x64xf32, #tpu.memory_space<hbm>> -> memref<10000x64xf32, #tpu.memory_space<hbm>>
        tpu.enqueue_indirect_dma source(%dma_start3A_464 : memref<10000x64xf32, #tpu.memory_space<hbm>>) target(%arg12 : memref<128x64xf32, #tpu.memory_space<vmem>>) offsets(%dma_start3A_461 : memref<128xi32, #tpu.memory_space<vmem>>) semaphore(%arg21 : memref<!tpu.dma_semaphore, #tpu.memory_space<semaphore_mem>>)
      } else {
      }
      %add3A_379 = arith.constant 0 : i32
      %add3A_380 = arith.addi %mul3A_365, %add3A_379 : i32
      %get3A_381 = arith.index_cast %add3A_380 : i32 to index
      %get3A_382 = tpu.vector_load %arg8[%get3A_381] {strides = array<i32>} : memref<10240xi32, #tpu.memory_space<vmem>>, vector<16xi32>,
      %shift_right_arithmetic3A_383 = arith.constant 4 : i32
      %shift_right_arithmetic3A_384 = vector.broadcast %shift_right_arithmetic3A_383 : i32 to vector<16xi32>
      %shift_right_arithmetic3A_385 = arith.shrsi %get3A_382, %shift_right_arithmetic3A_384 : vector<16xi32>
      %and3A_386 = arith.constant 15 : i32
      %and3A_387 = vector.broadcast %and3A_386 : i32 to vector<16xi32>
      %and3A_388 = arith.andi %get3A_382, %and3A_387 : vector<16xi32>
      tpu.vector_store_idx %arg13[%shift_right_arithmetic3A_385, %and3A_388], %broadcast_in_dim3A_3 {add = true} : memref<640x16xf32, #tpu.memory_space<vmem>>[vector<16xi32>, vector<16xi32>], vector<16xf32>,
      %add3A_389 = arith.constant 16 : i32
      %add3A_390 = arith.addi %mul3A_365, %add3A_389 : i32
      %get3A_391 = arith.index_cast %add3A_390 : i32 to index
      %get3A_392 = tpu.vector_load %arg8[%get3A_391] {strides = array<i32>} : memref<10240xi32, #tpu.memory_space<vmem>>, vector<16xi32>,
      %shift_right_arithmetic3A_393 = arith.constant 4 : i32
      %shift_right_arithmetic3A_394 = vector.broadcast %shift_right_arithmetic3A_393 : i32 to vector<16xi32>
      %shift_right_arithmetic3A_395 = arith.shrsi %get3A_392, %shift_right_arithmetic3A_394 : vector<16xi32>
      %and3A_396 = arith.constant 15 : i32
      %and3A_397 = vector.broadcast %and3A_396 : i32 to vector<16xi32>
      %and3A_398 = arith.andi %get3A_392, %and3A_397 : vector<16xi32>
      tpu.vector_store_idx %arg13[%shift_right_arithmetic3A_395, %and3A_398], %broadcast_in_dim3A_3 {add = true} : memref<640x16xf32, #tpu.memory_space<vmem>>[vector<16xi32>, vector<16xi32>], vector<16xf32>,
      %add3A_399 = arith.constant 32 : i32
      %add3A_400 = arith.addi %mul3A_365, %add3A_399 : i32
      %get3A_401 = arith.index_cast %add3A_400 : i32 to index
      %get3A_402 = tpu.vector_load %arg8[%get3A_401] {strides = array<i32>} : memref<10240xi32, #tpu.memory_space<vmem>>, vector<16xi32>,
      %shift_right_arithmetic3A_403 = arith.constant 4 : i32
      %shift_right_arithmetic3A_404 = vector.broadcast %shift_right_arithmetic3A_403 : i32 to vector<16xi32>
      %shift_right_arithmetic3A_405 = arith.shrsi %get3A_402, %shift_right_arithmetic3A_404 : vector<16xi32>
      %and3A_406 = arith.constant 15 : i32
      %and3A_407 = vector.broadcast %and3A_406 : i32 to vector<16xi32>
      %and3A_408 = arith.andi %get3A_402, %and3A_407 : vector<16xi32>
      tpu.vector_store_idx %arg13[%shift_right_arithmetic3A_405, %and3A_408], %broadcast_in_dim3A_3 {add = true} : memref<640x16xf32, #tpu.memory_space<vmem>>[vector<16xi32>, vector<16xi32>], vector<16xf32>,
      %add3A_409 = arith.constant 48 : i32
      %add3A_410 = arith.addi %mul3A_365, %add3A_409 : i32
      %get3A_411 = arith.index_cast %add3A_410 : i32 to index
      %get3A_412 = tpu.vector_load %arg8[%get3A_411] {strides = array<i32>} : memref<10240xi32, #tpu.memory_space<vmem>>, vector<16xi32>,
      %shift_right_arithmetic3A_413 = arith.constant 4 : i32
      %shift_right_arithmetic3A_414 = vector.broadcast %shift_right_arithmetic3A_413 : i32 to vector<16xi32>
      %shift_right_arithmetic3A_415 = arith.shrsi %get3A_412, %shift_right_arithmetic3A_414 : vector<16xi32>
      %and3A_416 = arith.constant 15 : i32
      %and3A_417 = vector.broadcast %and3A_416 : i32 to vector<16xi32>
      %and3A_418 = arith.andi %get3A_412, %and3A_417 : vector<16xi32>
      tpu.vector_store_idx %arg13[%shift_right_arithmetic3A_415, %and3A_418], %broadcast_in_dim3A_3 {add = true} : memref<640x16xf32, #tpu.memory_space<vmem>>[vector<16xi32>, vector<16xi32>], vector<16xf32>,
      %add3A_419 = arith.constant 64 : i32
      %add3A_420 = arith.addi %mul3A_365, %add3A_419 : i32
      %get3A_421 = arith.index_cast %add3A_420 : i32 to index
      %get3A_422 = tpu.vector_load %arg8[%get3A_421] {strides = array<i32>} : memref<10240xi32, #tpu.memory_space<vmem>>, vector<16xi32>,
      %shift_right_arithmetic3A_423 = arith.constant 4 : i32
      %shift_right_arithmetic3A_424 = vector.broadcast %shift_right_arithmetic3A_423 : i32 to vector<16xi32>
      %shift_right_arithmetic3A_425 = arith.shrsi %get3A_422, %shift_right_arithmetic3A_424 : vector<16xi32>
      %and3A_426 = arith.constant 15 : i32
      %and3A_427 = vector.broadcast %and3A_426 : i32 to vector<16xi32>
      %and3A_428 = arith.andi %get3A_422, %and3A_427 : vector<16xi32>
      tpu.vector_store_idx %arg13[%shift_right_arithmetic3A_425, %and3A_428], %broadcast_in_dim3A_3 {add = true} : memref<640x16xf32, #tpu.memory_space<vmem>>[vector<16xi32>, vector<16xi32>], vector<16xf32>,
      %add3A_429 = arith.constant 80 : i32
      %add3A_430 = arith.addi %mul3A_365, %add3A_429 : i32
      %get3A_431 = arith.index_cast %add3A_430 : i32 to index
      %get3A_432 = tpu.vector_load %arg8[%get3A_431] {strides = array<i32>} : memref<10240xi32, #tpu.memory_space<vmem>>, vector<16xi32>,
      %shift_right_arithmetic3A_433 = arith.constant 4 : i32
      %shift_right_arithmetic3A_434 = vector.broadcast %shift_right_arithmetic3A_433 : i32 to vector<16xi32>
      %shift_right_arithmetic3A_435 = arith.shrsi %get3A_432, %shift_right_arithmetic3A_434 : vector<16xi32>
      %and3A_436 = arith.constant 15 : i32
      %and3A_437 = vector.broadcast %and3A_436 : i32 to vector<16xi32>
      %and3A_438 = arith.andi %get3A_432, %and3A_437 : vector<16xi32>
      tpu.vector_store_idx %arg13[%shift_right_arithmetic3A_435, %and3A_438], %broadcast_in_dim3A_3 {add = true} : memref<640x16xf32, #tpu.memory_space<vmem>>[vector<16xi32>, vector<16xi32>], vector<16xf32>,
      %add3A_439 = arith.constant 96 : i32
      %add3A_440 = arith.addi %mul3A_365, %add3A_439 : i32
      %get3A_441 = arith.index_cast %add3A_440 : i32 to index
      %get3A_442 = tpu.vector_load %arg8[%get3A_441] {strides = array<i32>} : memref<10240xi32, #tpu.memory_space<vmem>>, vector<16xi32>,
      %shift_right_arithmetic3A_443 = arith.constant 4 : i32
      %shift_right_arithmetic3A_444 = vector.broadcast %shift_right_arithmetic3A_443 : i32 to vector<16xi32>
      %shift_right_arithmetic3A_445 = arith.shrsi %get3A_442, %shift_right_arithmetic3A_444 : vector<16xi32>
      %and3A_446 = arith.constant 15 : i32
      %and3A_447 = vector.broadcast %and3A_446 : i32 to vector<16xi32>
      %and3A_448 = arith.andi %get3A_442, %and3A_447 : vector<16xi32>
      tpu.vector_store_idx %arg13[%shift_right_arithmetic3A_445, %and3A_448], %broadcast_in_dim3A_3 {add = true} : memref<640x16xf32, #tpu.memory_space<vmem>>[vector<16xi32>, vector<16xi32>], vector<16xf32>,
      %add3A_449 = arith.constant 112 : i32
      %add3A_450 = arith.addi %mul3A_365, %add3A_449 : i32
      %get3A_451 = arith.index_cast %add3A_450 : i32 to index
      %get3A_452 = tpu.vector_load %arg8[%get3A_451] {strides = array<i32>} : memref<10240xi32, #tpu.memory_space<vmem>>, vector<16xi32>,
      %shift_right_arithmetic3A_453 = arith.constant 4 : i32
      %shift_right_arithmetic3A_454 = vector.broadcast %shift_right_arithmetic3A_453 : i32 to vector<16xi32>
      %shift_right_arithmetic3A_455 = arith.shrsi %get3A_452, %shift_right_arithmetic3A_454 : vector<16xi32>
      %and3A_456 = arith.constant 15 : i32
      %and3A_457 = vector.broadcast %and3A_456 : i32 to vector<16xi32>
      %and3A_458 = arith.andi %get3A_452, %and3A_457 : vector<16xi32>
      tpu.vector_store_idx %arg13[%shift_right_arithmetic3A_455, %and3A_458], %broadcast_in_dim3A_3 {add = true} : memref<640x16xf32, #tpu.memory_space<vmem>>[vector<16xi32>, vector<16xi32>], vector<16xf32>,
    }
    %scan3A_57 = arith.constant 20 : i32
    %scan3A_58 = arith.constant 0 : i32
    %scan3A_59 = arith.constant 5 : i32
    %scan3A_60 = arith.addi %scan3A_58, %scan3A_59 : i32
    %scan3A_61 = arith.constant 1 : i32
    scf.for %scan3A_73 = %scan3A_58 to %scan3A_60 step %scan3A_61  : i32 {
      %mul3A_74 = arith.constant 1 : i32
      %mul3A_75 = arith.muli %scan3A_73, %mul3A_74 : i32
      %add3A_76 = arith.constant 0 : i32
      %add3A_77 = arith.addi %add3A_76, %mul3A_75 : i32
      %mul3A_78 = arith.constant 128 : i32
      %mul3A_79 = arith.muli %add3A_77, %mul3A_78 : i32
      "tpu.region"() ({
        %run_scoped3A = tpu.sem_alloc : memref<!tpu.dma_semaphore, #tpu.memory_space<semaphore_mem>>
        %dma_start3A_80 = arith.constant 0 : i32
        %dma_start3A_81 = tpu.memref_slice %arg13[%mul3A_79, %dma_start3A_80] : memref<640x16xf32, #tpu.memory_space<vmem>> -> memref<128x16xf32, #tpu.memory_space<vmem>>
        %dma_start3A_82 = arith.constant 0 : i32
        %dma_start3A_83 = tpu.memref_slice %arg14[%add3A_77, %dma_start3A_82] : memref<5x128xi32, #tpu.memory_space<vmem>> -> memref<1x128xi32, #tpu.memory_space<vmem>>
        %dma_start3A_84 = tpu.memref_squeeze %dma_start3A_83 : memref<1x128xi32, #tpu.memory_space<vmem>> -> memref<128xi32, #tpu.memory_space<vmem>>
        %dma_start3A_85 = arith.constant 0 : i32
        %dma_start3A_86 = arith.constant 0 : i32
        %dma_start3A_87 = tpu.memref_slice %arg17[%dma_start3A_85, %dma_start3A_86] : memref<640x16xf32, #tpu.memory_space<vmem_shared>> -> memref<640x16xf32, #tpu.memory_space<vmem_shared>>
        tpu.enqueue_indirect_dma source(%dma_start3A_81 : memref<128x16xf32, #tpu.memory_space<vmem>>) target(%dma_start3A_87 : memref<640x16xf32, #tpu.memory_space<vmem_shared>>) offsets(%dma_start3A_84 : memref<128xi32, #tpu.memory_space<vmem>>) semaphore(%run_scoped3A : memref<!tpu.dma_semaphore, #tpu.memory_space<semaphore_mem>>) {add = true}
        %dma_wait3A = arith.constant 0 : i32
        %dma_wait3A_88 = tpu.memref_slice %arg13[%mul3A_79, %dma_wait3A] : memref<640x16xf32, #tpu.memory_space<vmem>> -> memref<128x16xf32, #tpu.memory_space<vmem>>
        %dma_wait3A_89 = arith.constant 0 : i32
        %dma_wait3A_90 = tpu.memref_slice %arg14[%add3A_77, %dma_wait3A_89] : memref<5x128xi32, #tpu.memory_space<vmem>> -> memref<1x128xi32, #tpu.memory_space<vmem>>
        %dma_wait3A_91 = tpu.memref_squeeze %dma_wait3A_90 : memref<1x128xi32, #tpu.memory_space<vmem>> -> memref<128xi32, #tpu.memory_space<vmem>>
        %dma_wait3A_92 = arith.constant 0 : i32
        %dma_wait3A_93 = arith.constant 0 : i32
        %dma_wait3A_94 = tpu.memref_slice %arg17[%dma_wait3A_92, %dma_wait3A_93] : memref<640x16xf32, #tpu.memory_space<vmem_shared>> -> memref<640x16xf32, #tpu.memory_space<vmem_shared>>
        tpu.wait_indirect_dma semaphore(%run_scoped3A : memref<!tpu.dma_semaphore, #tpu.memory_space<semaphore_mem>>) src(%dma_wait3A_88 : memref<128x16xf32, #tpu.memory_space<vmem>>) dst(%dma_wait3A_94 : memref<640x16xf32, #tpu.memory_space<vmem_shared>>)
        tpu.yield
      }) : () -> ()
    }
    %scan3A_62 = arith.constant 5 : i32
    %barrier3A_63 = arith.constant 0 : index
    tpu.barrier barrier_id(%barrier3A_63)
    %scan3A_64 = arith.constant 0 : i32
    %scan3A_65 = arith.constant 5 : i32
    %scan3A_66 = arith.addi %scan3A_64, %scan3A_65 : i32
    %scan3A_67 = arith.constant 1 : i32
    scf.for %scan3A_73 = %scan3A_64 to %scan3A_66 step %scan3A_67  : i32 {
      %mul3A_74 = arith.constant 1 : i32
      %mul3A_75 = arith.muli %scan3A_73, %mul3A_74 : i32
      %add3A_76 = arith.constant 0 : i32
      %add3A_77 = arith.addi %add3A_76, %mul3A_75 : i32
      %mul3A_78 = arith.constant 128 : i32
      %mul3A_79 = arith.muli %add3A_77, %mul3A_78 : i32
      %add3A_80 = arith.addi %mul3A_2, %mul3A_79 : i32
      "tpu.region"() ({
        %run_scoped3A = tpu.sem_alloc : memref<!tpu.dma_semaphore, #tpu.memory_space<semaphore_mem>>
        %dma_start3A_84 = arith.constant 0 : i32
        %dma_start3A_85 = tpu.memref_slice %arg16[%add3A_80, %dma_start3A_84] : memref<10240x64xf32, #tpu.memory_space<vmem_shared>> -> memref<128x64xf32, #tpu.memory_space<vmem_shared>>
        %dma_start3A_86 = arith.constant 0 : i32
        %dma_start3A_87 = tpu.memref_slice %arg16[%add3A_80, %dma_start3A_86] : memref<10240x64xf32, #tpu.memory_space<vmem_shared>> -> memref<128x64xf32, #tpu.memory_space<vmem_shared>>
        tpu.enqueue_dma source(%dma_start3A_87 : memref<128x64xf32, #tpu.memory_space<vmem_shared>>) target(%arg9 : memref<128x64xf32, #tpu.memory_space<vmem>>) target_semaphore(%run_scoped3A : memref<!tpu.dma_semaphore, #tpu.memory_space<semaphore_mem>>)
        %dma_wait3A = arith.constant 0 : i32
        %dma_wait3A_88 = tpu.memref_slice %arg16[%add3A_80, %dma_wait3A] : memref<10240x64xf32, #tpu.memory_space<vmem_shared>> -> memref<128x64xf32, #tpu.memory_space<vmem_shared>>
        %dma_wait3A_89 = arith.constant 0 : i32
        %dma_wait3A_90 = tpu.memref_slice %arg16[%add3A_80, %dma_wait3A_89] : memref<10240x64xf32, #tpu.memory_space<vmem_shared>> -> memref<128x64xf32, #tpu.memory_space<vmem_shared>>
        tpu.wait_dma2 semaphore(%run_scoped3A : memref<!tpu.dma_semaphore, #tpu.memory_space<semaphore_mem>>) src(%dma_wait3A_90 : memref<128x64xf32, #tpu.memory_space<vmem_shared>>) dst(%arg9 : memref<128x64xf32, #tpu.memory_space<vmem>>)
        tpu.yield
      }) : () -> ()
      %mul3A_81 = arith.constant 128 : i32
      %mul3A_82 = arith.muli %add3A_77, %mul3A_81 : i32
      %add3A_83 = arith.addi %mul3A_2, %mul3A_82 : i32
      "tpu.region"() ({
        %run_scoped3A = tpu.sem_alloc : memref<!tpu.dma_semaphore, #tpu.memory_space<semaphore_mem>>
        %dma_start3A_84 = arith.constant 0 : i32
        %dma_start3A_85 = arith.constant 0 : i32
        %dma_start3A_86 = tpu.memref_slice %arg5[%arg0, %dma_start3A_84, %dma_start3A_85] : memref<2x10240x64xf32, #tpu.memory_space<hbm>> -> memref<1x10240x64xf32, #tpu.memory_space<hbm>>
        %dma_start3A_87 = tpu.memref_squeeze %dma_start3A_86 : memref<1x10240x64xf32, #tpu.memory_space<hbm>> -> memref<10240x64xf32, #tpu.memory_space<hbm>>
        %dma_start3A_88 = arith.constant 0 : i32
        %dma_start3A_89 = tpu.memref_slice %dma_start3A_87[%add3A_83, %dma_start3A_88] : memref<10240x64xf32, #tpu.memory_space<hbm>> -> memref<128x64xf32, #tpu.memory_space<hbm>>
        %dma_start3A_90 = arith.constant 0 : i32
        %dma_start3A_91 = arith.constant 0 : i32
        %dma_start3A_92 = tpu.memref_slice %arg5[%arg0, %dma_start3A_90, %dma_start3A_91] : memref<2x10240x64xf32, #tpu.memory_space<hbm>> -> memref<1x10240x64xf32, #tpu.memory_space<hbm>>
        %dma_start3A_93 = tpu.memref_squeeze %dma_start3A_92 : memref<1x10240x64xf32, #tpu.memory_space<hbm>> -> memref<10240x64xf32, #tpu.memory_space<hbm>>
        %dma_start3A_94 = arith.constant 0 : i32
        %dma_start3A_95 = tpu.memref_slice %dma_start3A_93[%add3A_83, %dma_start3A_94] : memref<10240x64xf32, #tpu.memory_space<hbm>> -> memref<128x64xf32, #tpu.memory_space<hbm>>
        tpu.enqueue_dma source(%arg9 : memref<128x64xf32, #tpu.memory_space<vmem>>) target(%dma_start3A_95 : memref<128x64xf32, #tpu.memory_space<hbm>>) target_semaphore(%run_scoped3A : memref<!tpu.dma_semaphore, #tpu.memory_space<semaphore_mem>>)
        %dma_wait3A = arith.constant 0 : i32
        %dma_wait3A_96 = arith.constant 0 : i32
        %dma_wait3A_97 = tpu.memref_slice %arg5[%arg0, %dma_wait3A, %dma_wait3A_96] : memref<2x10240x64xf32, #tpu.memory_space<hbm>> -> memref<1x10240x64xf32, #tpu.memory_space<hbm>>
        %dma_wait3A_98 = tpu.memref_squeeze %dma_wait3A_97 : memref<1x10240x64xf32, #tpu.memory_space<hbm>> -> memref<10240x64xf32, #tpu.memory_space<hbm>>
        %dma_wait3A_99 = arith.constant 0 : i32
        %dma_wait3A_100 = tpu.memref_slice %dma_wait3A_98[%add3A_83, %dma_wait3A_99] : memref<10240x64xf32, #tpu.memory_space<hbm>> -> memref<128x64xf32, #tpu.memory_space<hbm>>
        %dma_wait3A_101 = arith.constant 0 : i32
        %dma_wait3A_102 = arith.constant 0 : i32
        %dma_wait3A_103 = tpu.memref_slice %arg5[%arg0, %dma_wait3A_101, %dma_wait3A_102] : memref<2x10240x64xf32, #tpu.memory_space<hbm>> -> memref<1x10240x64xf32, #tpu.memory_space<hbm>>
        %dma_wait3A_104 = tpu.memref_squeeze %dma_wait3A_103 : memref<1x10240x64xf32, #tpu.memory_space<hbm>> -> memref<10240x64xf32, #tpu.memory_space<hbm>>
        %dma_wait3A_105 = arith.constant 0 : i32
        %dma_wait3A_106 = tpu.memref_slice %dma_wait3A_104[%add3A_83, %dma_wait3A_105] : memref<10240x64xf32, #tpu.memory_space<hbm>> -> memref<128x64xf32, #tpu.memory_space<hbm>>
        tpu.wait_dma2 semaphore(%run_scoped3A : memref<!tpu.dma_semaphore, #tpu.memory_space<semaphore_mem>>) src(%arg9 : memref<128x64xf32, #tpu.memory_space<vmem>>) dst(%dma_wait3A_106 : memref<128x64xf32, #tpu.memory_space<hbm>>)
        tpu.yield
      }) : () -> ()
    }
    %scan3A_68 = arith.constant 5 : i32
    %mul3A_69 = arith.constant 40 : i32
    %mul3A_70 = arith.muli %arg1, %mul3A_69 : i32
    "tpu.region"() ({
      %run_scoped3A = tpu.sem_alloc : memref<!tpu.dma_semaphore, #tpu.memory_space<semaphore_mem>>
      %dma_start3A_73 = arith.constant 0 : i32
      %dma_start3A_74 = tpu.memref_slice %arg17[%mul3A_70, %dma_start3A_73] : memref<640x16xf32, #tpu.memory_space<vmem_shared>> -> memref<40x16xf32, #tpu.memory_space<vmem_shared>>
      %dma_start3A_75 = arith.constant 0 : i32
      %dma_start3A_76 = tpu.memref_slice %arg17[%mul3A_70, %dma_start3A_75] : memref<640x16xf32, #tpu.memory_space<vmem_shared>> -> memref<40x16xf32, #tpu.memory_space<vmem_shared>>
      tpu.enqueue_dma source(%dma_start3A_76 : memref<40x16xf32, #tpu.memory_space<vmem_shared>>) target(%arg15 : memref<40x16xf32, #tpu.memory_space<vmem>>) target_semaphore(%run_scoped3A : memref<!tpu.dma_semaphore, #tpu.memory_space<semaphore_mem>>)
      %dma_wait3A = arith.constant 0 : i32
      %dma_wait3A_77 = tpu.memref_slice %arg17[%mul3A_70, %dma_wait3A] : memref<640x16xf32, #tpu.memory_space<vmem_shared>> -> memref<40x16xf32, #tpu.memory_space<vmem_shared>>
      %dma_wait3A_78 = arith.constant 0 : i32
      %dma_wait3A_79 = tpu.memref_slice %arg17[%mul3A_70, %dma_wait3A_78] : memref<640x16xf32, #tpu.memory_space<vmem_shared>> -> memref<40x16xf32, #tpu.memory_space<vmem_shared>>
      tpu.wait_dma2 semaphore(%run_scoped3A : memref<!tpu.dma_semaphore, #tpu.memory_space<semaphore_mem>>) src(%dma_wait3A_79 : memref<40x16xf32, #tpu.memory_space<vmem_shared>>) dst(%arg15 : memref<40x16xf32, #tpu.memory_space<vmem>>)
      tpu.yield
    }) : () -> ()
    %mul3A_71 = arith.constant 40 : i32
    %mul3A_72 = arith.muli %arg1, %mul3A_71 : i32
    "tpu.region"() ({
      %run_scoped3A = tpu.sem_alloc : memref<!tpu.dma_semaphore, #tpu.memory_space<semaphore_mem>>
      %dma_start3A_73 = arith.constant 0 : i32
      %dma_start3A_74 = arith.constant 0 : i32
      %dma_start3A_75 = tpu.memref_slice %arg6[%arg0, %dma_start3A_73, %dma_start3A_74] : memref<2x640x16xf32, #tpu.memory_space<hbm>> -> memref<1x640x16xf32, #tpu.memory_space<hbm>>
      %dma_start3A_76 = tpu.memref_squeeze %dma_start3A_75 : memref<1x640x16xf32, #tpu.memory_space<hbm>> -> memref<640x16xf32, #tpu.memory_space<hbm>>
      %dma_start3A_77 = arith.constant 0 : i32
      %dma_start3A_78 = tpu.memref_slice %dma_start3A_76[%mul3A_72, %dma_start3A_77] : memref<640x16xf32, #tpu.memory_space<hbm>> -> memref<40x16xf32, #tpu.memory_space<hbm>>
      %dma_start3A_79 = arith.constant 0 : i32
      %dma_start3A_80 = arith.constant 0 : i32
      %dma_start3A_81 = tpu.memref_slice %arg6[%arg0, %dma_start3A_79, %dma_start3A_80] : memref<2x640x16xf32, #tpu.memory_space<hbm>> -> memref<1x640x16xf32, #tpu.memory_space<hbm>>
      %dma_start3A_82 = tpu.memref_squeeze %dma_start3A_81 : memref<1x640x16xf32, #tpu.memory_space<hbm>> -> memref<640x16xf32, #tpu.memory_space<hbm>>
      %dma_start3A_83 = arith.constant 0 : i32
      %dma_start3A_84 = tpu.memref_slice %dma_start3A_82[%mul3A_72, %dma_start3A_83] : memref<640x16xf32, #tpu.memory_space<hbm>> -> memref<40x16xf32, #tpu.memory_space<hbm>>
      tpu.enqueue_dma source(%arg15 : memref<40x16xf32, #tpu.memory_space<vmem>>) target(%dma_start3A_84 : memref<40x16xf32, #tpu.memory_space<hbm>>) target_semaphore(%run_scoped3A : memref<!tpu.dma_semaphore, #tpu.memory_space<semaphore_mem>>)
      %dma_wait3A = arith.constant 0 : i32
      %dma_wait3A_85 = arith.constant 0 : i32
      %dma_wait3A_86 = tpu.memref_slice %arg6[%arg0, %dma_wait3A, %dma_wait3A_85] : memref<2x640x16xf32, #tpu.memory_space<hbm>> -> memref<1x640x16xf32, #tpu.memory_space<hbm>>
      %dma_wait3A_87 = tpu.memref_squeeze %dma_wait3A_86 : memref<1x640x16xf32, #tpu.memory_space<hbm>> -> memref<640x16xf32, #tpu.memory_space<hbm>>
      %dma_wait3A_88 = arith.constant 0 : i32
      %dma_wait3A_89 = tpu.memref_slice %dma_wait3A_87[%mul3A_72, %dma_wait3A_88] : memref<640x16xf32, #tpu.memory_space<hbm>> -> memref<40x16xf32, #tpu.memory_space<hbm>>
      %dma_wait3A_90 = arith.constant 0 : i32
      %dma_wait3A_91 = arith.constant 0 : i32
      %dma_wait3A_92 = tpu.memref_slice %arg6[%arg0, %dma_wait3A_90, %dma_wait3A_91] : memref<2x640x16xf32, #tpu.memory_space<hbm>> -> memref<1x640x16xf32, #tpu.memory_space<hbm>>
      %dma_wait3A_93 = tpu.memref_squeeze %dma_wait3A_92 : memref<1x640x16xf32, #tpu.memory_space<hbm>> -> memref<640x16xf32, #tpu.memory_space<hbm>>
      %dma_wait3A_94 = arith.constant 0 : i32
      %dma_wait3A_95 = tpu.memref_slice %dma_wait3A_93[%mul3A_72, %dma_wait3A_94] : memref<640x16xf32, #tpu.memory_space<hbm>> -> memref<40x16xf32, #tpu.memory_space<hbm>>
      tpu.wait_dma2 semaphore(%run_scoped3A : memref<!tpu.dma_semaphore, #tpu.memory_space<semaphore_mem>>) src(%arg15 : memref<40x16xf32, #tpu.memory_space<vmem>>) dst(%dma_wait3A_95 : memref<40x16xf32, #tpu.memory_space<hbm>>)
      tpu.yield
    }) : () -> ()
    return
  }
}

module attributes {stable_mosaic.version = 14 : i64} {
  func.func @_dense_body(%arg0: i32, %arg1: memref<2000x128xf32, #tpu.memory_space<vmem>>, %arg2: memref<128x256xf32, #tpu.memory_space<vmem>>, %arg3: memref<1x256xf32, #tpu.memory_space<vmem>>, %arg4: memref<256x64xf32, #tpu.memory_space<vmem>>, %arg5: memref<2000x64xf32, #tpu.memory_space<vmem>>) attributes {dimension_semantics = [#tpu.dimension_semantics<arbitrary>], iteration_bounds = array<i64: 5>, scalar_prefetch = 0 : i64, scratch_operands = 0 : i64, tpu.core_type = #tpu.core_type<tc>, window_params = [{transform_indices = @transform_0, window_bounds = array<i64: 2000, 128>}, {pipeline_mode = #tpu.pipeline_mode<synchronous>, transform_indices = @transform_1, window_bounds = array<i64: 128, 256>}, {pipeline_mode = #tpu.pipeline_mode<synchronous>, transform_indices = @transform_2, window_bounds = array<i64: 1, 256>}, {pipeline_mode = #tpu.pipeline_mode<synchronous>, transform_indices = @transform_3, window_bounds = array<i64: 256, 64>}, {transform_indices = @transform_4, window_bounds = array<i64: 2000, 64>}]} {
    %get3A = arith.constant 0 : index
    %get3A_0 = arith.constant 0 : index
    %get3A_1 = vector.load %arg1[%get3A, %get3A_0] : memref<2000x128xf32, #tpu.memory_space<vmem>>, vector<2000x128xf32>
    %get3A_2 = arith.constant 0 : index
    %get3A_3 = arith.constant 0 : index
    %get3A_4 = vector.load %arg2[%get3A_2, %get3A_3] : memref<128x256xf32, #tpu.memory_space<vmem>>, vector<128x256xf32>
    %dot_general3A = arith.constant dense<0.000000e+00> : vector<2000x256xf32>
    %dot_general3A_5 = tpu.matmul %get3A_1, %get3A_4, %dot_general3A {dimension_numbers = #tpu.dot_dimension_numbers<[1], [0], [0], [1], [0, 0, 1, 1], [], []>, transpose_lhs_hint = false} : vector<2000x128xf32>, vector<128x256xf32>, vector<2000x256xf32> -> vector<2000x256xf32>
    %get3A_6 = arith.constant 0 : index
    %get3A_7 = arith.constant 0 : index
    %get3A_8 = vector.load %arg3[%get3A_6, %get3A_7] : memref<1x256xf32, #tpu.memory_space<vmem>>, vector<1x256xf32>
    %add3A = vector.broadcast %get3A_8 : vector<1x256xf32> to vector<2000x256xf32>
    %add3A_9 = arith.addf %dot_general3A_5, %add3A : vector<2000x256xf32>
    %max3A = arith.constant 0.000000e+00 : f32
    %max3A_10 = vector.broadcast %max3A : f32 to vector<2000x256xf32>
    %max3A_11 = arith.maximumf %add3A_9, %max3A_10 : vector<2000x256xf32>
    %get3A_12 = arith.constant 0 : index
    %get3A_13 = arith.constant 0 : index
    %get3A_14 = vector.load %arg4[%get3A_12, %get3A_13] : memref<256x64xf32, #tpu.memory_space<vmem>>, vector<256x64xf32>
    %dot_general3A_15 = arith.constant dense<0.000000e+00> : vector<2000x64xf32>
    %dot_general3A_16 = tpu.matmul %max3A_11, %get3A_14, %dot_general3A_15 {dimension_numbers = #tpu.dot_dimension_numbers<[1], [0], [0], [1], [0, 0, 1, 1], [], []>, transpose_lhs_hint = false} : vector<2000x256xf32>, vector<256x64xf32>, vector<2000x64xf32> -> vector<2000x64xf32>
    %swap3A = arith.constant 0 : index
    %swap3A_17 = arith.constant 0 : index
    %swap3A_18 = vector.load %arg5[%swap3A, %swap3A_17] : memref<2000x64xf32, #tpu.memory_space<vmem>>, vector<2000x64xf32>
    tpu.vector_store %arg5[%swap3A, %swap3A_17], %dot_general3A_16 {strides = array<i32>} : memref<2000x64xf32, #tpu.memory_space<vmem>>, vector<2000x64xf32>,
    return
  }
  func.func @transform_0(%arg0: i32) -> (i32, i32) {
    %c0_i32 = arith.constant 0 : i32
    %c0_i32_0 = arith.constant 0 : i32
    return %arg0, %c0_i32 : i32, i32
  }
  func.func @transform_1(%arg0: i32) -> (i32, i32) {
    %c0_i32 = arith.constant 0 : i32
    %c0_i32_0 = arith.constant 0 : i32
    %c0_i32_1 = arith.constant 0 : i32
    return %c0_i32, %c0_i32_0 : i32, i32
  }
  func.func @transform_2(%arg0: i32) -> (i32, i32) {
    %c0_i32 = arith.constant 0 : i32
    %c0_i32_0 = arith.constant 0 : i32
    %c0_i32_1 = arith.constant 0 : i32
    return %c0_i32, %c0_i32_0 : i32, i32
  }
  func.func @transform_3(%arg0: i32) -> (i32, i32) {
    %c0_i32 = arith.constant 0 : i32
    %c0_i32_0 = arith.constant 0 : i32
    %c0_i32_1 = arith.constant 0 : i32
    return %c0_i32, %c0_i32_0 : i32, i32
  }
  func.func @transform_4(%arg0: i32) -> (i32, i32) {
    %c0_i32 = arith.constant 0 : i32
    %c0_i32_0 = arith.constant 0 : i32
    return %arg0, %c0_i32 : i32, i32
  }
}

module attributes {stable_mosaic.version = 14 : i64} {
  func.func @_fx_body(%arg0: i32, %arg1: memref<2000x128xf32, #tpu.memory_space<vmem>>, %arg2: memref<128x64xf32, #tpu.memory_space<vmem>>, %arg3: memref<2000x64xf32, #tpu.memory_space<vmem>>) attributes {dimension_semantics = [#tpu.dimension_semantics<arbitrary>], iteration_bounds = array<i64: 5>, scalar_prefetch = 0 : i64, scratch_operands = 0 : i64, tpu.core_type = #tpu.core_type<tc>, window_params = [{transform_indices = @transform_0, window_bounds = array<i64: 2000, 128>}, {pipeline_mode = #tpu.pipeline_mode<synchronous>, transform_indices = @transform_1, window_bounds = array<i64: 128, 64>}, {transform_indices = @transform_2, window_bounds = array<i64: 2000, 64>}]} {
    %get3A = arith.constant 0 : index
    %get3A_0 = arith.constant 0 : index
    %get3A_1 = vector.load %arg1[%get3A, %get3A_0] : memref<2000x128xf32, #tpu.memory_space<vmem>>, vector<2000x128xf32>
    %get3A_2 = arith.constant 0 : index
    %get3A_3 = arith.constant 0 : index
    %get3A_4 = vector.load %arg2[%get3A_2, %get3A_3] : memref<128x64xf32, #tpu.memory_space<vmem>>, vector<128x64xf32>
    %dot_general3A = arith.constant dense<0.000000e+00> : vector<2000x64xf32>
    %dot_general3A_5 = tpu.matmul %get3A_1, %get3A_4, %dot_general3A {dimension_numbers = #tpu.dot_dimension_numbers<[1], [0], [0], [1], [0, 0, 1, 1], [], []>, transpose_lhs_hint = false} : vector<2000x128xf32>, vector<128x64xf32>, vector<2000x64xf32> -> vector<2000x64xf32>
    %swap3A = arith.constant 0 : index
    %swap3A_6 = arith.constant 0 : index
    %swap3A_7 = vector.load %arg3[%swap3A, %swap3A_6] : memref<2000x64xf32, #tpu.memory_space<vmem>>, vector<2000x64xf32>
    tpu.vector_store %arg3[%swap3A, %swap3A_6], %dot_general3A_5 {strides = array<i32>} : memref<2000x64xf32, #tpu.memory_space<vmem>>, vector<2000x64xf32>,
    return
  }
  func.func @transform_0(%arg0: i32) -> (i32, i32) {
    %c0_i32 = arith.constant 0 : i32
    %c0_i32_0 = arith.constant 0 : i32
    return %arg0, %c0_i32 : i32, i32
  }
  func.func @transform_1(%arg0: i32) -> (i32, i32) {
    %c0_i32 = arith.constant 0 : i32
    %c0_i32_0 = arith.constant 0 : i32
    %c0_i32_1 = arith.constant 0 : i32
    return %c0_i32, %c0_i32_0 : i32, i32
  }
  func.func @transform_2(%arg0: i32) -> (i32, i32) {
    %c0_i32 = arith.constant 0 : i32
    %c0_i32_0 = arith.constant 0 : i32
    return %arg0, %c0_i32 : i32, i32
  }
}

module attributes {stable_mosaic.version = 14 : i64} {
  func.func @_combine_body(%arg0: i32, %arg1: memref<2000x64xf32, #tpu.memory_space<vmem>>, %arg2: memref<2x2000x64xf32, #tpu.memory_space<vmem>>, %arg3: memref<2x2000x1xf32, #tpu.memory_space<vmem>>, %arg4: memref<1x128xf32, #tpu.memory_space<vmem>>, %arg5: memref<2000x128xf32, #tpu.memory_space<vmem>>) attributes {dimension_semantics = [#tpu.dimension_semantics<arbitrary>], iteration_bounds = array<i64: 5>, scalar_prefetch = 0 : i64, scratch_operands = 0 : i64, tpu.core_type = #tpu.core_type<tc>, window_params = [{transform_indices = @transform_0, window_bounds = array<i64: 2000, 64>}, {transform_indices = @transform_1, window_bounds = array<i64: 2, 2000, 64>}, {transform_indices = @transform_2, window_bounds = array<i64: 2, 2000, 1>}, {pipeline_mode = #tpu.pipeline_mode<synchronous>, transform_indices = @transform_3, window_bounds = array<i64: 1, 128>}, {transform_indices = @transform_4, window_bounds = array<i64: 2000, 128>}]} {
    %get3A = arith.constant 0 : index
    %get3A_0 = arith.constant 0 : index
    %get3A_1 = arith.constant 0 : index
    %get3A_2 = vector.load %arg2[%get3A, %get3A_0, %get3A_1] : memref<2x2000x64xf32, #tpu.memory_space<vmem>>, vector<1x2000x64xf32>
    %get3A_3 = vector.shape_cast %get3A_2 : vector<1x2000x64xf32> to vector<2000x64xf32>
    %get3A_4 = arith.constant 1 : index
    %get3A_5 = arith.constant 0 : index
    %get3A_6 = arith.constant 0 : index
    %get3A_7 = vector.load %arg2[%get3A_4, %get3A_5, %get3A_6] : memref<2x2000x64xf32, #tpu.memory_space<vmem>>, vector<1x2000x64xf32>
    %get3A_8 = vector.shape_cast %get3A_7 : vector<1x2000x64xf32> to vector<2000x64xf32>
    %add3A = arith.addf %get3A_3, %get3A_8 : vector<2000x64xf32>
    %get3A_9 = arith.constant 0 : index
    %get3A_10 = arith.constant 0 : index
    %get3A_11 = arith.constant 0 : index
    %get3A_12 = vector.load %arg3[%get3A_9, %get3A_10, %get3A_11] : memref<2x2000x1xf32, #tpu.memory_space<vmem>>, vector<1x2000x1xf32>
    %get3A_13 = vector.shape_cast %get3A_12 : vector<1x2000x1xf32> to vector<2000x1xf32>
    %get3A_14 = arith.constant 1 : index
    %get3A_15 = arith.constant 0 : index
    %get3A_16 = arith.constant 0 : index
    %get3A_17 = vector.load %arg3[%get3A_14, %get3A_15, %get3A_16] : memref<2x2000x1xf32, #tpu.memory_space<vmem>>, vector<1x2000x1xf32>
    %get3A_18 = vector.shape_cast %get3A_17 : vector<1x2000x1xf32> to vector<2000x1xf32>
    %add3A_19 = arith.addf %get3A_13, %get3A_18 : vector<2000x1xf32>
    %gt3A = arith.constant 0.000000e+00 : f32
    %gt3A_20 = vector.broadcast %gt3A : f32 to vector<2000x1xf32>
    %gt3A_21 = arith.cmpf ogt, %add3A_19, %gt3A_20 : vector<2000x1xf32>
    %max3A = arith.constant 1.000000e+00 : f32
    %max3A_22 = vector.broadcast %max3A : f32 to vector<2000x1xf32>
    %max3A_23 = arith.maximumf %add3A_19, %max3A_22 : vector<2000x1xf32>
    %div3A = vector.broadcast %max3A_23 : vector<2000x1xf32> to vector<2000x64xf32>
    %div3A_24 = arith.divf %add3A, %div3A : vector<2000x64xf32>
    %jit3A = arith.constant 0.000000e+00 : f32
    %broadcast_in_dim3A = vector.shape_cast %gt3A_21 : vector<2000x1xi1> to vector<2000x1xi1>
    %broadcast_in_dim3A_25 = vector.broadcast %broadcast_in_dim3A : vector<2000x1xi1> to vector<2000x64xi1>
    %broadcast_in_dim3A_26 = vector.broadcast %jit3A : f32 to vector<2000x64xf32>
    %select_n3A = arith.select %broadcast_in_dim3A_25, %div3A_24, %broadcast_in_dim3A_26 : vector<2000x64xi1>, vector<2000x64xf32>
    %get3A_27 = arith.constant 0 : index
    %get3A_28 = arith.constant 0 : index
    %get3A_29 = vector.load %arg1[%get3A_27, %get3A_28] : memref<2000x64xf32, #tpu.memory_space<vmem>>, vector<2000x64xf32>
    %get3A_30 = arith.constant 0 : index
    %get3A_31 = arith.constant 0 : index
    %get3A_32 = vector.load %arg4[%get3A_30, %get3A_31] : memref<1x128xf32, #tpu.memory_space<vmem>>, vector<1x64xf32>
    %get3A_33 = vector.shape_cast %get3A_32 : vector<1x64xf32> to vector<64xf32>
    %broadcast_in_dim3A_34 = vector.shape_cast %get3A_33 : vector<64xf32> to vector<1x64xf32>
    %add3A_35 = vector.broadcast %broadcast_in_dim3A_34 : vector<1x64xf32> to vector<2000x64xf32>
    %add3A_36 = arith.addf %get3A_29, %add3A_35 : vector<2000x64xf32>
    %max3A_37 = arith.constant 0.000000e+00 : f32
    %max3A_38 = vector.broadcast %max3A_37 : f32 to vector<2000x64xf32>
    %max3A_39 = arith.maximumf %add3A_36, %max3A_38 : vector<2000x64xf32>
    %swap3A = arith.constant 0 : index
    %swap3A_40 = arith.constant 0 : index
    %swap3A_41 = vector.load %arg5[%swap3A, %swap3A_40] : memref<2000x128xf32, #tpu.memory_space<vmem>>, vector<2000x64xf32>
    tpu.vector_store %arg5[%swap3A, %swap3A_40], %max3A_39 {strides = array<i32>} : memref<2000x128xf32, #tpu.memory_space<vmem>>, vector<2000x64xf32>,
    %get3A_42 = arith.constant 0 : index
    %get3A_43 = arith.constant 64 : index
    %get3A_44 = vector.load %arg4[%get3A_42, %get3A_43] : memref<1x128xf32, #tpu.memory_space<vmem>>, vector<1x64xf32>
    %get3A_45 = vector.shape_cast %get3A_44 : vector<1x64xf32> to vector<64xf32>
    %broadcast_in_dim3A_46 = vector.shape_cast %get3A_45 : vector<64xf32> to vector<1x64xf32>
    %add3A_47 = vector.broadcast %broadcast_in_dim3A_46 : vector<1x64xf32> to vector<2000x64xf32>
    %add3A_48 = arith.addf %select_n3A, %add3A_47 : vector<2000x64xf32>
    %max3A_49 = arith.constant 0.000000e+00 : f32
    %max3A_50 = vector.broadcast %max3A_49 : f32 to vector<2000x64xf32>
    %max3A_51 = arith.maximumf %add3A_48, %max3A_50 : vector<2000x64xf32>
    %swap3A_52 = arith.constant 0 : index
    %swap3A_53 = arith.constant 64 : index
    %swap3A_54 = vector.load %arg5[%swap3A_52, %swap3A_53] : memref<2000x128xf32, #tpu.memory_space<vmem>>, vector<2000x64xf32>
    tpu.vector_store %arg5[%swap3A_52, %swap3A_53], %max3A_51 {strides = array<i32>} : memref<2000x128xf32, #tpu.memory_space<vmem>>, vector<2000x64xf32>,
    return
  }
  func.func @transform_0(%arg0: i32) -> (i32, i32) {
    %c0_i32 = arith.constant 0 : i32
    %c0_i32_0 = arith.constant 0 : i32
    return %arg0, %c0_i32 : i32, i32
  }
  func.func @transform_1(%arg0: i32) -> (i32, i32, i32) {
    %c0_i32 = arith.constant 0 : i32
    %c0_i32_0 = arith.constant 0 : i32
    %c0_i32_1 = arith.constant 0 : i32
    return %c0_i32, %arg0, %c0_i32_0 : i32, i32, i32
  }
  func.func @transform_2(%arg0: i32) -> (i32, i32, i32) {
    %c0_i32 = arith.constant 0 : i32
    %c0_i32_0 = arith.constant 0 : i32
    %c0_i32_1 = arith.constant 0 : i32
    return %c0_i32, %arg0, %c0_i32_0 : i32, i32, i32
  }
  func.func @transform_3(%arg0: i32) -> (i32, i32) {
    %c0_i32 = arith.constant 0 : i32
    %c0_i32_0 = arith.constant 0 : i32
    %c0_i32_1 = arith.constant 0 : i32
    return %c0_i32, %c0_i32_0 : i32, i32
  }
  func.func @transform_4(%arg0: i32) -> (i32, i32) {
    %c0_i32 = arith.constant 0 : i32
    %c0_i32_0 = arith.constant 0 : i32
    return %arg0, %c0_i32 : i32, i32
  }
}

</mosaic_0001>

<sc_bundles>
// kernel: kernel.6.cloned.1.call-start
scs
__scs_entry_jumppad:
0x0: {  	(pc) =	sbr.rel $0x88, $3  }
0x1: {  	(tag) =	ssettag $0x0;
	lr =	simm.s32 $0x1  }
0x2: {  	[smem:$0x3F9A] =	sst lr;
	_ =	strace $0xD0000000  }
0x3: {  	_ = 	snop  }
0x4: {  	_ = 	snop  }
0x5: {  	_ = 	snop  }
0x6: {  	_ = 	snop  }
0x7: {  	_ = 	snop  }
__scs_overlays_trampoline_lowered:
0x8: {  	[smem:$0x3FA9] =	sst s0  }
0x9: {  	[smem:$0x3FAA] =	sst s1  }
0xa: {  	[smem:$0x3FAB] =	sst s2  }
0xb: {  	[smem:$0x3FAC] =	sst s3  }
0xc: {  	[smem:$0x3FAD] =	sst s4  }
0xd: {  	[smem:$0x3FAE] =	sst s5  }
0xe: {  	[smem:$0x3FAF] =	sst s6  }
0xf: {  	[smem:$0x3FB0] =	sst s7  }
0x10: {  	[smem:$0x3FB1] =	sst s8  }
0x11: {  	[smem:$0x3FB2] =	sst s9;
	s0 =	simm.s32 @!p0 $0x0  }
0x12: {  	s1 =	sld [smem:$0x3F98];
	s0 =	simm.s32 @p0 $0x1  }
0x13: {  	[smem:$0x3FB3] =	sst s0;
	s0 =	simm.s32 @!p1 $0x0  }
0x14: {  	s2 =	sld [smem:$0x3F97];
	s0 =	simm.s32 @p1 $0x1  }
0x15: {  	[smem:$0x3FB4] =	sst s0;
	s0 =	simm.s32 @!p2 $0x0  }
0x16: {  	s3 =	sld [smem:$0x3FDB];
	s0 =	simm.s32 @p2 $0x1  }
0x17: {  	s4 =	simm.s32 $0x1BF5;
	[smem:$0x3FB6] =	sst s0  }
0x18: {  	s0 =	sld [smem:$0x3F99];
	_ =	swait.ge [sflag:s4], $0x0  }
0x19: {  	s7 =	sld [smem:$0x3F9A]  }
0x1a: {  	s8 =	sadd.s32 $0xFFFFE003, lr  }
0x1b: {  	s9 =	sadd.s32 $0xFFFFFEF7, lr;
	s5 =	simm.s32 $0xFFFFFFFF;
	p2 =	slt.u32 s8, $0xFFFFF086  }
0x1c: {  	p1 =	slt.u32 s9, $0xF7A;
	s5 =	simm.s32 @!p2 $0x0  }
0x1d: {  	s5 =	simm.s32 @p1 $0x1;
	p0 =	seq.s32 s7, s2  }
0x1e: {  	s7 =	smul.u32 @!p0 $0xF7A, s2;
	p2 =	seq.s32 @!p0 s5, $0x0  }
0x1f: {  	s9 =	smul.u32 $0xF7A, s1;
	s8 =	simm.s32 @!p0 $0x1BF5;
	p2 =	por !p2, p0  }
0x20: {  	[sflag:s8] =	ssyncset.s32 @!p0 $0xFFFFF086;
	s6 =	sadd.s32 @!p0 s3, s7;
	s7 =	simm.s32 @!p0 $0x108  }
0x21: {  	s3 =	sadd.s32 s3, s9;
	s6 =	sadd.s32 @!p0 $0x88, s6;
	s7 =	simm.s32 @p2 $0x1082  }
0x22: {  	[simem:s7], [sflag:s8] =	dma.local @!p0 [hbm:s6], $0xF7A  }
0x23: {  	s9 =	sor.u32 $0xD0000000, s2;
	s6 =	simm.s32 $0x108;
	_ =	swait.ge @!p0 [sflag:s8], $0x0  }
0x24: {  	s3 =	sadd.s32 $0x88, s3;
	s6 =	simm.s32 @!p1 $0x1082;
	[sflag:s4] =	ssyncset.s32 $0xFFFFF086  }
0x25: {  	[simem:s6], [sflag:s4] =	dma.local [hbm:s3], $0xF7A  }
0x26: {  	[smem:$0x3F9A] =	sst s1;
	(tag) =	ssettag s2;
	_ =	strace s9  }
0x27: {  	s1 =	sld [smem:$0x3FAA]  }
0x28: {  	s2 =	sld [smem:$0x3FAB]  }
0x29: {  	s4 =	sld [smem:$0x3FAD]  }
0x2a: {  	p0 =	seq.s32 s5, $0x0;
	s5 =	sld [smem:$0x3FAE]  }
0x2b: {  	s6 =	sld [smem:$0x3FAF]  }
0x2c: {  	s7 =	sld [smem:$0x3FB0]  }
0x2d: {  	s3 =	simm.s32 $0x108;
	s8 =	sld [smem:$0x3FB1]  }
0x2e: {  	s3 =	simm.s32 @!p0 $0x1082;
	s9 =	sld [smem:$0x3FB2]  }
0x2f: {  	lr =	sadd.s32 s0, s3;
	s0 =	sld [smem:$0x3FA9]  }
0x30: {  	s3 =	sld [smem:$0x3FAC]  }
0x31: {  	[smem:$0x3FB5] =	sst s10  }
0x32: {  	s10 =	sld [smem:$0x3FB3];
	_ =	sdelay $0x3  }
0x33: {  	p0 =	seq.s32 s10, $0x1;
	s10 =	sld [smem:$0x3FB5];
	_ =	sdelay $0x3  }
0x34: {  	[smem:$0x3FB5] =	sst s10  }
0x35: {  	s10 =	sld [smem:$0x3FB4];
	_ =	sdelay $0x3  }
0x36: {  	p1 =	seq.s32 s10, $0x1;
	s10 =	sld [smem:$0x3FB5];
	_ =	sdelay $0x3  }
0x37: {  	[smem:$0x3FB5] =	sst s10  }
0x38: {  	s10 =	sld [smem:$0x3FB6]  }
0x39: {  	_ = 	snop;
	(pc) =	sbr.ind lr, $3  }
0x3a: {  	_ = 	snop  }
0x3b: {  	_ = 	snop  }
0x3c: {  	p2 =	seq.s32 s10, $0x1;
	s10 =	sld [smem:$0x3FB5]  }
0x3d: {  	_ =	shalt  }
0x3e: {  	_ =	shalt  }
0x3f: {  	_ =	shalt  }
0x40: {  	_ =	shalt  }
0x41: {  	_ =	shalt  }
0x42: {  	_ =	shalt  }
0x43: {  	_ =	shalt  }
0x44: {  	_ =	shalt  }
0x45: {  	_ =	shalt  }
0x46: {  	_ =	shalt  }
0x47: {  	_ =	shalt  }
0x48: {  	_ =	shalt  }
0x49: {  	_ =	shalt  }
0x4a: {  	_ =	shalt  }
0x4b: {  	_ =	shalt  }
0x4c: {  	_ =	shalt  }
0x4d: {  	_ =	shalt  }
0x4e: {  	_ =	shalt  }
0x4f: {  	_ =	shalt  }
0x50: {  	_ =	shalt  }
0x51: {  	_ =	shalt  }
0x52: {  	_ =	shalt  }
0x53: {  	_ =	shalt  }
0x54: {  	_ =	shalt  }
0x55: {  	_ =	shalt  }
0x56: {  	_ =	shalt  }
0x57: {  	_ =	shalt  }
0x58: {  	_ =	shalt  }
0x59: {  	_ =	shalt  }
0x5a: {  	_ =	shalt  }
0x5b: {  	_ =	shalt  }
0x5c: {  	_ =	shalt  }
0x5d: {  	_ =	shalt  }
0x5e: {  	_ =	shalt  }
0x5f: {  	_ =	shalt  }
0x60: {  	_ =	shalt  }
0x61: {  	_ =	shalt  }
0x62: {  	_ =	shalt  }
0x63: {  	_ =	shalt  }
0x64: {  	_ =	shalt  }
0x65: {  	_ =	shalt  }
0x66: {  	_ =	shalt  }
0x67: {  	_ =	shalt  }
0x68: {  	_ =	shalt  }
0x69: {  	_ =	shalt  }
0x6a: {  	_ =	shalt  }
0x6b: {  	_ =	shalt  }
0x6c: {  	_ =	shalt  }
0x6d: {  	_ =	shalt  }
0x6e: {  	_ =	shalt  }
0x6f: {  	_ =	shalt  }
0x70: {  	_ =	shalt  }
0x71: {  	_ =	shalt  }
0x72: {  	_ =	shalt  }
0x73: {  	_ =	shalt  }
0x74: {  	_ =	shalt  }
0x75: {  	_ =	shalt  }
0x76: {  	_ =	shalt  }
0x77: {  	_ =	shalt  }
0x78: {  	_ =	shalt  }
0x79: {  	_ =	shalt  }
0x7a: {  	_ =	shalt  }
0x7b: {  	_ =	shalt  }
0x7c: {  	_ =	shalt  }
0x7d: {  	_ =	shalt  }
0x7e: {  	_ =	shalt  }
0x7f: {  	_ =	shalt  }
0x80: {  	_ =	shalt  }
0x81: {  	_ =	shalt  }
0x82: {  	_ =	shalt  }
0x83: {  	_ =	shalt  }
0x84: {  	_ =	shalt  }
0x85: {  	_ =	shalt  }
0x86: {  	_ =	shalt  }
0x87: {  	_ =	shalt  }
.Lfunc_end0:
.L_simem_size_0:
called_computation_lowered:
.L_overlay_start_0:
0x88: {  	s2 =	sld [smem:$0x3FD9]  }
0x89: {  	s3 =	sld [smem:$0x3FFE];
	_ =	sdelay $0x1  }
0x8a: {  	s1 =	srdreg.scid  }
0x8b: {  	s0 =	sand.u32 $0x1, s1  }
0x8c: {  	s17 =	sshll.u32 s0, $0xA;
	s2 =	sadd.s32 s3, s2  }
0x8d: {  	s2 =	sadd.s32 s2, s17  }
0x8e: {  	[smem:$0x3FC1] =	sst s2  }
0x8f: {  	_ = 	snop  }
0x90: {  	s2 =	sld [smem:$0x3FD0];
	(tm) =	ssettm $0x1  }
0x91: {  	s18 =	sld [smem:$0x3FFB];
	_ =	sdelay $0x3  }
0x92: {  	_ =	strace s18  }
0x93: {  	s3 =	sld [smem:$0x3FFC];
	_ =	sdelay $0x3  }
0x94: {  	_ =	strace s3  }
0x95: {  	s3 =	sld [smem:$0x3FFD];
	_ =	sdelay $0x3  }
0x96: {  	_ =	strace s3  }
0x97: {  	_ =	strace $0x8FFFFFFF  }
0x98: {  	s19 =	sld [smem:$0x3FDB];
	_ =	sdelay $0x1  }
0x99: {  	s4 =	simm.s32 $_scs_section_size  }
0x9a: {  	s5 =	simm.s32 $_size__tile_overlayer_lowered;
	s6 =	simm.s32 $_tile_overlayer_lowered  }
0x9b: {  	s22 =	simm.s32 $0x1BFF;
	s21 =	sshll.u32 s6, $0x1;
	s3 =	sadd.s32 s4, s19  }
0x9c: {  	s7 =	simm.s32 $0x0;
	s20 =	sshll.u32 s5, $0x1;
	s5 =	sadd.s32 s21, s3  }
0x9d: {  	[timem:s7], [sflag:s22] =	dma.local [hbm:s5], s20  }
0x9e: {  	_ =	swait.ge [sflag:s22], s20  }
0x9f: {  	s4 =	ssub.s32 $0x0, s20;
	[sflag:s22] =	ssyncset.done $0x0  }
0xa0: {  	[sflag:s22] =	ssyncadd.s32 s4;
	_ =	sdelay $0x1  }
0xa1: {  	s23 =	simm.s32 $0x1B8B  }
0xa2: {  	_ =	swait.ge [sflag:s23], $0x1  }
0xa3: {  	[sflag:s23] =	ssyncset.done $0x0  }
0xa4: {  	s25 =	simm.s32 $0x1B8E;
	s24 =	sld [smem:$0x3FFE];
	[sflag:s23] =	ssyncadd.s32 $0xFFFFFFFF  }
0xa5: {  	s26 =	simm.s32 $execute0_lowered;
	[smem:$0x3FD2] =	sst s25  }
0xa6: {  	s5 =	sshll.u32 s26, $0x1;
	_ =	strace $0x80000046;
	[dreg:$0x1] =	wrdreg $0xFFFFFFFF  }
0xa7: {  	s28 =	simm.s32 $_size_execute0_lowered;
	s3 =	sadd.s32 s3, s5;
	[dreg:$0x0] =	wrdreg $0x0  }
0xa8: {  	s5 =	sshll.u32 s28, $0x1;
	[dreg:$0x2] =	wrdreg s3  }
0xa9: {  	[dreg:$0x3] =	wrdreg s5  }
0xaa: {  	[dreg:$0x4] =	wrdreg $0xC0  }
0xab: {  	_ =	task [dreg:s7], $0x5FFFF  }
0xac: {  	[dreg:$0x1] =	wrdreg $0xFFFFFFFF  }
0xad: {  	[dreg:$0x0] =	wrdreg $0x60  }
0xae: {  	[dreg:$0x2] =	wrdreg s2  }
0xaf: {  	[dreg:$0x3] =	wrdreg s24  }
0xb0: {  	[dreg:$0x4] =	wrdreg $0xFD000  }
0xb1: {  	[dreg:$0x5] =	wrdreg $0x19D000  }
0xb2: {  	[dreg:$0x6] =	wrdreg $0x9  }
0xb3: {  	_ =	task.clear_ibuf [dreg:s7], $0x7FFFF;
	_ =	strace $0x90000046  }
0xb4: {  	s29 =	simm.s32 $0x9;
	_ =	strace $0x80000048  }
0xb5: {  	_ =	swait.ge [sflag:s29], $0x1  }
0xb6: {  	[sflag:s29] =	ssyncadd.s32 $0xFFFFFFFF  }
0xb7: {  	_ =	strace $0x90000048  }
0xb8: {  	_ =	sfence  }
0xb9: {  	s30 =	sld [smem:$0x0];
	_ =	sdelay $0x2  }
0xba: {  	s31 =	sshll.u32 s1, $0xD;
	s1 =	sshrl.u32 s1, $0x2  }
0xbb: {  	s3 =	sand.u32 $0x4000, s31;
	s1 =	sadd.s32 s1, s30  }
0xbc: {  	s0 =	sor.u32 s3, s0;
	s1 =	sshll.u32 s1, $0x11  }
0xbd: {  	s0 =	sor.u32 s1, s0  }
0xbe: {  	s0 =	sadd.s32 $0x8F2B, s0  }
0xbf: {  	[sflag:s0] =	ssyncadd.remote.s32 $0x1  }
0xc0: {  	_ =	sfence.sel $0xFFFF  }
0xc1: {  	[dreg:$0x0] =	wrdreg $0xFFFFFFFF;
	(pc) =	sbr.abs _section_cstart, $3  }
0xc2: {  	[dreg:$0x1] =	wrdreg $0xFFFFFFFF  }
0xc3: {  	_ =	task.clear_ibuf [dreg:s7], $0x2FFFF;
	_ =	strace $0x9FFFFFFF  }
0xc4: {  	(tm) =	ssettm $0x7FFFFFFF  }
0xc5: {  	_ =	shalt  }
tec
execute0_lowered:
.L_overlay_start_1:
0x0: {  	(tag) =	ssettag $0x1  }
0x1: {  	s1 =	rddreg [dreg:$0x0]  }
0x2: {  	s0 =	rddreg [dreg:$0x1];
	s2 =	srdreg.scid  }
0x3: {  	s11 =	stileid.u32;
	s3 =	rddreg [dreg:$0x2]  }
0x4: {  	s4 =	rddreg [dreg:$0x3];
	s10 =	smul.u32 $0x28000, s11  }
0x5: {  	s29 =	simm.s32 $0x5000;
	s30 =	simm.s32 $0xFA80;
	s15 =	smul.u32 $0x280, s11  }
0x6: {  	s31 =	simm.s32 $0x80;
	s2 =	sand.u32 $0x1, s2;
	s16 =	smul.u32 $0xA000, s11  }
0x7: {  	s28 =	simm.s32 $0x9000;
	s5 =	sshll.u32 s11, $0x1;
	s7 =	smul.u32 $0x14000, s2  }
0x8: {  	s6 =	sor.u32 s2, s5;
	s5 =	simm.s32 $0x0;
	s8 =	smul.u32 $0x500, s2  }
0x9: {  	s2 =	ssub.s32 $0x2, s2;
	s6 =	smul.u32 $0x500, s6;
	[smem:$0x7FF] =	sst s5  }
0xa: {  	s9 =	sshrl.u32 s2, $0x1;
	s14 =	sshrl.u32 s10, $0x2;
	s10 =	sshrl.u32 s15, $0x3  }
0xb: {  	s11 =	sadd.s32 s16, s3;
	s19 =	sadd.s32 $0x2000, s16;
	s22 =	sshrl.u32 s16, $0x3  }
0xc: {  	_ =	strace $0x80000047;
	s7 =	sadd.s32 s7, s0;
	s2 =	ssub.s32 s2, s9  }
0xd: {  	s9 =	sadd.s32 s15, s4;
	[dreg:$0x7] =	wrdreg s11;
	s12 =	sshrl.u32 s19, $0x3  }
0xe: {  	s15 =	sadd.s32 $0x6000, s16;
	s6 =	sadd.s32 s6, s0;
	s0 =	sadd.s32 s8, s0  }
0xf: {  	s8 =	sadd.s32 s14, s3;
	s7 =	sadd.s32 $0x14E00, s7;
	s2 =	smax.u32 s2, $0x1  }
0x10: {  	s13 =	sadd.s32 $0xE00, s6;
	s6 =	sadd.s32 $0xAE00, s6;
	[dreg:$0x8] =	wrdreg s2  }
0x11: {  	s0 =	sadd.s32 $0x3CE00, s0;
	s17 =	sadd.s32 $0x2000, s8;
	[dreg:$0x5] =	wrdreg s13  }
0x12: {  	s18 =	sadd.s32 $0x4000, s8;
	s11 =	sadd.s32 s22, s7;
	[dreg:$0x6] =	wrdreg s6  }
0x13: {  	s23 =	sadd.s32 s12, s7;
	s26 =	sadd.s32 $0x6000, s8;
	[dreg:$0x9] =	wrdreg s17  }
0x14: {  	s21 =	sadd.s32 $0x8000, s8;
	s22 =	sadd.s32 s19, s3;
	[dreg:$0xa] =	wrdreg s18  }
0x15: {  	s2 =	simm.s32 $0x7000;
	s12 =	simm.s32 $0x4;
	[dreg:$0xb] =	wrdreg s11  }
0x16: {  	s13 =	sadd.s32 $0x4000, s16;
	s6 =	sadd.s32 $0x8000, s16;
	[dreg:$0xc] =	wrdreg s23  }
0x17: {  	s16 =	sshrl.u32 s15, $0x3;
	[dreg:$0x10] =	wrdreg s26;
	s20 =	sadd.s32 s10, s0  }
0x18: {  	s26 =	simm.s32 $0x5;
	s0 =	simm.s32 $0xB000;
	s10 =	simm.s32 $0x2  }
0x19: {  	s11 =	simm.s32 $0x3;
	s14 =	sshrl.u32 s13, $0x3;
	s17 =	sshrl.u32 s6, $0x3  }
0x1a: {  	s25 =	sadd.s32 s16, s7;
	s23 =	sadd.s32 s13, s3;
	s13 =	simm.s32 $0x0  }
0x1b: {  	s24 =	sadd.s32 s14, s7;
	[dreg:$0xe] =	wrdreg s25;
	s7 =	sadd.s32 s17, s7  }
0x1c: {  	s25 =	sadd.s32 s6, s3;
	s6 =	simm.s32 $0x1;
	[dreg:$0xd] =	wrdreg s24  }
0x1d: {  	v0 =	vimm.f32 $0.0e+00;
	v1 =	vlaneseq.u32;
	v2 =	vimm.f32 $1.000000000e+00;
	[dreg:$0xf] =	wrdreg s7;
	s24 =	sadd.s32 s15, s3;
	s7 =	simm.s32 $0xD000  }
.LBB2_1:
0x1e: {  	s14 =	rddreg [dreg:$0x5]  }
0x1f: {  	[tilespmem:s5], [sflag:$0x5] =	stream.linear.gather [hbm4b:s14+s5], $0x2800, $0x38;
	[tilespmem:$0x19F80] =	vst v63  }
0x20: {  	_ =	swait.ge [sflag:s26], $0x2800  }
0x21: {  	[sflag:s26] =	ssyncset.done $0x0  }
0x22: {  	s15 =	simm.s32 $0x2800;
	s19 =	rddreg [dreg:$0x6];
	[sflag:s26] =	ssyncadd.s32 $0xFFFFD800  }
0x23: {  	[tilespmem:s15], [sflag:$0x5] =	stream.linear.gather [hbm4b:s19+s5], $0x2800, $0x38;
	[tilespmem:$0x19F80] =	vst v63  }
0x24: {  	_ =	swait.ge [sflag:s26], $0x2800  }
0x25: {  	[sflag:s26] =	ssyncset.done $0x0  }
0x26: {  	s14 =	simm.s32 $0x0;
	[sflag:s26] =	ssyncadd.s32 $0xFFFFD800  }
.LBB2_2:
0x27: {  	p0 =	sne.s32 s14, $0x9FC0  }
.Ltmp0:
0x28: {  	_ = 	snop;
	(pc) =	sbr.rel @p0 .LBB2_2-.Ltmp0, $3  }
0x29: {  	_ =	sdelay $0x1  }
0x2a: {  	s15 =	sshra.s32 s14, $0x2  }
0x2b: {  	s14 =	sadd.s32 $0x40, s14;
	[tilespmem:s15+$0xD000] =	vst v0  }
0x2c: {  	s15 =	simm.s32 $0x60  }
0x2d: {  	s14 =	simm.s32 $0xF840;
	s16 =	simm.s32 $0x0;
	v3 =	vor.u32 s15, v1  }
0x2e: {  	s19 =	simm.s32 $0x10;
	v4 =	vor.u32 s16, v1;
	[tilespmem:s14+$0x20] =	vst v3  }
0x2f: {  	s16 =	simm.s32 $0x20;
	[tilespmem:s14+$0xFFFFFFC0] =	vst v4;
	v3 =	vor.u32 s19, v1  }
0x30: {  	s17 =	simm.s32 $0x30;
	[tilespmem:s14+$0xFFFFFFD0] =	vst v3;
	v3 =	vor.u32 s16, v1  }
0x31: {  	s18 =	simm.s32 $0x40;
	[tilespmem:s14+$0xFFFFFFE0] =	vst v3;
	v3 =	vor.u32 s17, v1  }
0x32: {  	s19 =	simm.s32 $0x50;
	[tilespmem:s14+$0xFFFFFFF0] =	vst v3;
	v3 =	vor.u32 s18, v1  }
0x33: {  	s18 =	simm.s32 $0x70;
	[tilespmem:s14+$0x0] =	vst v3;
	v3 =	vor.u32 s19, v1  }
0x34: {  	s15 =	simm.s32 $0xF0;
	s16 =	simm.s32 $0x170;
	s17 =	simm.s32 $0xE0;
	[tilespmem:s14+$0x10] =	vst v3;
	v3 =	vor.u32 s18, v1  }
.LBB2_4:
0x35: {  	p0 =	sne.s32 s16, $0x270;
	s18 =	sadd.s32 $0xFFFFFF90, s15;
	v4 =	vor.u32 s17, v1;
	[tilespmem:s14+$0x30] =	vst v3;
	s14 =	sadd.s32 $0x80, s14  }
0x36: {  	s17 =	sadd.s32 $0xFFFFFFA0, s15;
	v3 =	vor.u32 s18, v1;
	[tilespmem:s14+$0x20] =	vst v4  }
0x37: {  	[tilespmem:s14+$0xFFFFFFC0] =	vst v3;
	v3 =	vor.u32 s17, v1;
	s17 =	sadd.s32 $0xFFFFFFB0, s15  }
.Ltmp1:
0x38: {  	[tilespmem:s14+$0xFFFFFFD0] =	vst v3;
	v3 =	vor.u32 s17, v1;
	s17 =	sadd.s32 $0xFFFFFFC0, s15;
	(pc) =	sbr.rel @p0 .LBB2_4-.Ltmp1, $4  }
0x39: {  	[tilespmem:s14+$0xFFFFFFE0] =	vst v3;
	v3 =	vor.u32 s17, v1;
	s17 =	sadd.s32 $0xFFFFFFD0, s15  }
0x3a: {  	[tilespmem:s14+$0xFFFFFFF0] =	vst v3;
	v3 =	vor.u32 s17, v1;
	s17 =	sadd.s32 $0xFFFFFFE0, s15  }
0x3b: {  	[tilespmem:s14+$0x0] =	vst v3;
	v3 =	vor.u32 s17, v1  }
0x3c: {  	s17 =	sadd.s32 $0xFFFFFFF0, s16;
	[tilespmem:s14+$0x10] =	vst v3;
	v3 =	vor.u32 s15, v1;
	s15 =	smov.u32 s16;
	s16 =	sadd.s32 $0x80, s16  }
0x3d: {  	s16 =	sadd.s32 $0xFFFFFF90, s15;
	v4 =	vor.u32 s17, v1;
	[tilespmem:s14+$0x30] =	vst v3;
	s14 =	sadd.s32 $0x80, s14  }
0x3e: {  	s18 =	sadd.s32 $0xFFFFFFA0, s15;
	v3 =	vor.u32 s16, v1;
	[tilespmem:s14+$0x20] =	vst v4  }
0x3f: {  	s19 =	sadd.s32 $0xFFFFFFB0, s15;
	[tilespmem:s14+$0xFFFFFFC0] =	vst v3;
	v3 =	vor.u32 s18, v1  }
0x40: {  	s17 =	sadd.s32 $0xFFFFFFC0, s15;
	[tilespmem:s14+$0xFFFFFFD0] =	vst v3;
	v3 =	vor.u32 s19, v1  }
0x41: {  	s18 =	sadd.s32 $0xFFFFFFD0, s15;
	[tilespmem:s14+$0xFFFFFFE0] =	vst v3;
	v3 =	vor.u32 s17, v1  }
0x42: {  	s19 =	sadd.s32 $0xFFFFFFE0, s15;
	[tilespmem:s14+$0xFFFFFFF0] =	vst v3;
	v3 =	vor.u32 s18, v1  }
0x43: {  	[tilespmem:s14+$0x0] =	vst v3;
	v3 =	vor.u32 s19, v1  }
0x44: {  	[tilespmem:s14+$0x10] =	vst v3;
	v3 =	vor.u32 s15, v1  }
0x45: {  	[tilespmem:s14+$0x30] =	vst v3  }
0x46: {  	[tilespmem:$0xFA80] =	vst v0  }
0x47: {  	[tilespmem:$0xFA90] =	vst v0  }
0x48: {  	[tilespmem:$0xFAA0] =	vst v0  }
0x49: {  	[tilespmem:$0xFAB0] =	vst v0  }
0x4a: {  	[tilespmem:$0xFAC0] =	vst v0  }
0x4b: {  	[tilespmem:$0xFAD0] =	vst v0  }
0x4c: {  	[tilespmem:$0xFAE0] =	vst v0  }
0x4d: {  	[tilespmem:$0xFAF0] =	vst v0  }
0x4e: {  	[tilespmem:$0xFB00] =	vst v0  }
0x4f: {  	[tilespmem:$0xFB10] =	vst v0  }
0x50: {  	[tilespmem:$0xFB20] =	vst v0  }
0x51: {  	[tilespmem:$0xFB30] =	vst v0  }
0x52: {  	[tilespmem:$0xFB40] =	vst v0  }
0x53: {  	[tilespmem:$0xFB50] =	vst v0  }
0x54: {  	[tilespmem:$0xFB60] =	vst v0  }
0x55: {  	[tilespmem:$0xFB70] =	vst v0  }
0x56: {  	[tilespmem:$0xFB80] =	vst v0  }
0x57: {  	[tilespmem:$0xFB90] =	vst v0  }
0x58: {  	[tilespmem:$0xFBA0] =	vst v0  }
0x59: {  	[tilespmem:$0xFBB0] =	vst v0  }
0x5a: {  	[tilespmem:$0xFBC0] =	vst v0  }
0x5b: {  	[tilespmem:$0xFBD0] =	vst v0  }
0x5c: {  	[tilespmem:$0xFBE0] =	vst v0  }
0x5d: {  	[tilespmem:$0xFBF0] =	vst v0  }
0x5e: {  	[tilespmem:$0xFC00] =	vst v0  }
0x5f: {  	[tilespmem:$0xFC10] =	vst v0  }
0x60: {  	[tilespmem:$0xFC20] =	vst v0  }
0x61: {  	[tilespmem:$0xFC30] =	vst v0  }
0x62: {  	[tilespmem:$0xFC40] =	vst v0  }
0x63: {  	[tilespmem:$0xFC50] =	vst v0  }
0x64: {  	[tilespmem:$0xFC60] =	vst v0  }
0x65: {  	[tilespmem:$0xFC70] =	vst v0  }
0x66: {  	[tilespmem:$0xFC80] =	vst v0  }
0x67: {  	[tilespmem:$0xFC90] =	vst v0  }
0x68: {  	[tilespmem:$0xFCA0] =	vst v0  }
0x69: {  	[tilespmem:$0xFCB0] =	vst v0  }
0x6a: {  	[tilespmem:$0xFCC0] =	vst v0  }
0x6b: {  	[tilespmem:$0xFCD0] =	vst v0  }
0x6c: {  	[tilespmem:$0xFCE0] =	vst v0  }
0x6d: {  	s15 =	simm.s32 $0x100;
	s14 =	simm.s32 $0x0;
	[tilespmem:$0xFCF0] =	vst v0  }
.LBB2_6:
0x6e: {  	p0 =	sne.s32 s15, $0x7F00;
	[tilespmem:s14+$0x5030] =	vst v0;
	s16 =	smov.u32 s15;
	s15 =	sadd.s32 $0x100, s15  }
.Ltmp2:
0x6f: {  	[tilespmem:s14+$0x5020] =	vst v0;
	(pc) =	sbr.rel @p0 .LBB2_6-.Ltmp2, $3  }
0x70: {  	[tilespmem:s14+$0x5000] =	vst v0  }
0x71: {  	[tilespmem:s14+$0x5010] =	vst v0;
	_ =	sdelay $0x1  }
0x72: {  	s14 =	sshra.s32 s16, $0x2  }
0x73: {  	[tilespmem:s14+$0x5030] =	vst v0  }
0x74: {  	[tilespmem:s14+$0x5020] =	vst v0  }
0x75: {  	[tilespmem:s14+$0x5000] =	vst v0  }
0x76: {  	[tilespmem:s14+$0x5010] =	vst v0  }
0x77: {  	[spmem:s8] =	stream.linear.scatter [tilespmem:s29], [sflag:$0x5], $0x2000, $0x38;
	[tilespmem:$0x19F80] =	vst v63  }
0x78: {  	_ =	swait.ge [sflag:s26], $0x2000  }
0x79: {  	[sflag:s26] =	ssyncset.done $0x0  }
0x7a: {  	s16 =	rddreg [dreg:$0x9];
	[sflag:s26] =	ssyncadd.s32 $0xFFFFE000  }
0x7b: {  	[spmem:s16] =	stream.linear.scatter [tilespmem:s29], [sflag:$0x5], $0x2000, $0x38;
	[tilespmem:$0x19F80] =	vst v63  }
0x7c: {  	_ =	swait.ge [sflag:s26], $0x2000  }
0x7d: {  	[sflag:s26] =	ssyncset.done $0x0  }
0x7e: {  	s17 =	rddreg [dreg:$0xa];
	[sflag:s26] =	ssyncadd.s32 $0xFFFFE000  }
0x7f: {  	[spmem:s17] =	stream.linear.scatter [tilespmem:s29], [sflag:$0x5], $0x2000, $0x38;
	[tilespmem:$0x19F80] =	vst v63  }
0x80: {  	_ =	swait.ge [sflag:s26], $0x2000  }
0x81: {  	[sflag:s26] =	ssyncset.done $0x0  }
0x82: {  	s18 =	rddreg [dreg:$0x10];
	[sflag:s26] =	ssyncadd.s32 $0xFFFFE000  }
0x83: {  	[spmem:s18] =	stream.linear.scatter [tilespmem:s29], [sflag:$0x5], $0x2000, $0x38;
	[tilespmem:$0x19F80] =	vst v63  }
0x84: {  	_ =	swait.ge [sflag:s26], $0x2000  }
0x85: {  	[sflag:s26] =	ssyncset.done $0x0  }
0x86: {  	[sflag:s26] =	ssyncadd.s32 $0xFFFFE000  }
0x87: {  	[spmem:s21] =	stream.linear.scatter [tilespmem:s29], [sflag:$0x5], $0x2000, $0x38;
	[tilespmem:$0x19F80] =	vst v63  }
0x88: {  	_ =	swait.ge [sflag:s26], $0x2000  }
0x89: {  	[sflag:s26] =	ssyncset.done $0x0  }
0x8a: {  	[sflag:s26] =	ssyncadd.s32 $0xFFFFE000  }
0x8b: {  	[spmem:s9] =	stream.linear.scatter [tilespmem:s30], [sflag:$0x5], $0x280, $0x38;
	[tilespmem:$0x19F80] =	vst v63  }
0x8c: {  	_ =	swait.ge [sflag:s26], $0x280  }
0x8d: {  	[sflag:s26] =	ssyncset.done $0x0  }
0x8e: {  	[sflag:s26] =	ssyncadd.s32 $0xFFFFFD80  }
0x8f: {  	s14 =	simm.s32 $0x0;
	[bflag:$0x0] =	sbarrier.arrive $0xFFFF  }
0x90: {  	[tilespmem:s29], [sflag:$0x1] =	stream.indirect.gather [hbm4b:s1+s31], $0x40, s14, s31, $0xb8;
	[tilespmem:$0x19F80] =	vst v63  }
0x91: {  	_ = 	snop  }
0x92: {  	[tilespmem:s2], [sflag:$0x2] =	stream.indirect.gather [hbm4b:s1+s31], $0x40, s31, s31, $0xb8;
	[tilespmem:$0x19F80] =	vst v63  }
0x93: {  	s15 =	simm.s32 $0x100  }
0x94: {  	[tilespmem:s28], [sflag:$0x3] =	stream.indirect.gather [hbm4b:s1+s31], $0x40, s15, s31, $0xb8;
	[tilespmem:$0x19F80] =	vst v63  }
0x95: {  	s19 =	simm.s32 $0x180  }
0x96: {  	[tilespmem:s0], [sflag:$0x4] =	stream.indirect.gather [hbm4b:s1+s31], $0x40, s19, s31, $0xb8;
	[tilespmem:$0x19F80] =	vst v63  }
.LBB2_8:
0x97: {  	_ =	swait.ge [sflag:s6], $0x2000  }
0x98: {  	s15 =	sshra.s32 s14, $0x2;
	[sflag:s6] =	ssyncset.done $0x0  }
0x99: {  	s16 =	sadd.s32 $0x2800, s15;
	[sflag:s6] =	ssyncadd.s32 $0xFFFFE000  }
0x9a: {  	[spmem:s3] =	stream.indirect.scatter.add.f32 [tilespmem:s29], [sflag:$0x5], $0x40, s16, s31, $0xb8;
	[tilespmem:$0x19F80] =	vst v63  }
0x9b: {  	p0 =	seq.s32 s14, $0x9800;
	_ =	swait.ge [sflag:s26], $0x2000  }
0x9c: {  	s17 =	simm.s32 @!p0 $0x80;
	s16 =	sshra.s32 @!p0 s14, $0x2;
	[sflag:s26] =	ssyncset.done $0x0  }
0x9d: {  	s19 =	simm.s32 @!p0 $0x5000;
	s18 =	sadd.s32 @!p0 $0x200, s16;
	[sflag:s26] =	ssyncadd.s32 $0xFFFFE000  }
0x9e: {  	[tilespmem:s19], [sflag:$0x1] =	stream.indirect.gather @!p0 [hbm4b:s1+s17], $0x40, s18, s17, $0xb8;
	[tilespmem:$0x19F80] =	vst v63  }
0x9f: {  	v3 =	vld [tilespmem:s15+$0x2800];
	_ =	sdelay $0x7  }
0xa0: {  	[tilespmem:v3+s7+$0x0] =	vst.idx.add.f32.msk $0xffff, v2  }
0xa1: {  	v3 =	vld [tilespmem:s15+$0x2810];
	_ =	sdelay $0x7  }
0xa2: {  	[tilespmem:v3+s7+$0x0] =	vst.idx.add.f32.msk $0xffff, v2  }
0xa3: {  	v3 =	vld [tilespmem:s15+$0x2820];
	_ =	sdelay $0x7  }
0xa4: {  	[tilespmem:v3+s7+$0x0] =	vst.idx.add.f32.msk $0xffff, v2  }
0xa5: {  	v3 =	vld [tilespmem:s15+$0x2830];
	_ =	sdelay $0x7  }
0xa6: {  	[tilespmem:v3+s7+$0x0] =	vst.idx.add.f32.msk $0xffff, v2  }
0xa7: {  	v3 =	vld [tilespmem:s15+$0x2840];
	_ =	sdelay $0x7  }
0xa8: {  	[tilespmem:v3+s7+$0x0] =	vst.idx.add.f32.msk $0xffff, v2  }
0xa9: {  	v3 =	vld [tilespmem:s15+$0x2850];
	_ =	sdelay $0x7  }
0xaa: {  	[tilespmem:v3+s7+$0x0] =	vst.idx.add.f32.msk $0xffff, v2  }
0xab: {  	v3 =	vld [tilespmem:s15+$0x2860];
	_ =	sdelay $0x7  }
0xac: {  	[tilespmem:v3+s7+$0x0] =	vst.idx.add.f32.msk $0xffff, v2  }
0xad: {  	v3 =	vld [tilespmem:s15+$0x2870];
	_ =	sdelay $0x7  }
0xae: {  	[tilespmem:v3+s7+$0x0] =	vst.idx.add.f32.msk $0xffff, v2  }
0xaf: {  	_ =	swait.ge [sflag:s10], $0x2000  }
0xb0: {  	[sflag:s10] =	ssyncset.done $0x0  }
0xb1: {  	s19 =	sadd.s32 $0x2880, s15;
	[sflag:s10] =	ssyncadd.s32 $0xFFFFE000  }
0xb2: {  	[spmem:s3] =	stream.indirect.scatter.add.f32 [tilespmem:s2], [sflag:$0x5], $0x40, s19, s31, $0xb8;
	[tilespmem:$0x19F80] =	vst v63  }
0xb3: {  	_ =	swait.ge [sflag:s26], $0x2000  }
0xb4: {  	[sflag:s26] =	ssyncset.done $0x0  }
0xb5: {  	s18 =	sadd.s32 @!p0 $0x280, s16;
	s19 =	simm.s32 @!p0 $0x7000;
	[sflag:s26] =	ssyncadd.s32 $0xFFFFE000  }
0xb6: {  	[tilespmem:s19], [sflag:$0x2] =	stream.indirect.gather @!p0 [hbm4b:s1+s17], $0x40, s18, s17, $0xb8;
	[tilespmem:$0x19F80] =	vst v63  }
0xb7: {  	v3 =	vld [tilespmem:s15+$0x2880];
	_ =	sdelay $0x7  }
0xb8: {  	[tilespmem:v3+s7+$0x0] =	vst.idx.add.f32.msk $0xffff, v2  }
0xb9: {  	v3 =	vld [tilespmem:s15+$0x2890];
	_ =	sdelay $0x7  }
0xba: {  	[tilespmem:v3+s7+$0x0] =	vst.idx.add.f32.msk $0xffff, v2  }
0xbb: {  	v3 =	vld [tilespmem:s15+$0x28A0];
	_ =	sdelay $0x7  }
0xbc: {  	[tilespmem:v3+s7+$0x0] =	vst.idx.add.f32.msk $0xffff, v2  }
0xbd: {  	v3 =	vld [tilespmem:s15+$0x28B0];
	_ =	sdelay $0x7  }
0xbe: {  	[tilespmem:v3+s7+$0x0] =	vst.idx.add.f32.msk $0xffff, v2  }
0xbf: {  	v3 =	vld [tilespmem:s15+$0x28C0];
	_ =	sdelay $0x7  }
0xc0: {  	[tilespmem:v3+s7+$0x0] =	vst.idx.add.f32.msk $0xffff, v2  }
0xc1: {  	v3 =	vld [tilespmem:s15+$0x28D0];
	_ =	sdelay $0x7  }
0xc2: {  	[tilespmem:v3+s7+$0x0] =	vst.idx.add.f32.msk $0xffff, v2  }
0xc3: {  	v3 =	vld [tilespmem:s15+$0x28E0];
	_ =	sdelay $0x7  }
0xc4: {  	[tilespmem:v3+s7+$0x0] =	vst.idx.add.f32.msk $0xffff, v2  }
0xc5: {  	v3 =	vld [tilespmem:s15+$0x28F0];
	_ =	sdelay $0x7  }
0xc6: {  	[tilespmem:v3+s7+$0x0] =	vst.idx.add.f32.msk $0xffff, v2  }
0xc7: {  	_ =	swait.ge [sflag:s11], $0x2000  }
0xc8: {  	[sflag:s11] =	ssyncset.done $0x0  }
0xc9: {  	s19 =	sadd.s32 $0x2900, s15;
	[sflag:s11] =	ssyncadd.s32 $0xFFFFE000  }
0xca: {  	[spmem:s3] =	stream.indirect.scatter.add.f32 [tilespmem:s28], [sflag:$0x5], $0x40, s19, s31, $0xb8;
	[tilespmem:$0x19F80] =	vst v63  }
0xcb: {  	_ =	swait.ge [sflag:s26], $0x2000  }
0xcc: {  	[sflag:s26] =	ssyncset.done $0x0  }
0xcd: {  	s18 =	sadd.s32 @!p0 $0x300, s16;
	s19 =	simm.s32 @!p0 $0x9000;
	[sflag:s26] =	ssyncadd.s32 $0xFFFFE000  }
0xce: {  	[tilespmem:s19], [sflag:$0x3] =	stream.indirect.gather @!p0 [hbm4b:s1+s17], $0x40, s18, s17, $0xb8;
	[tilespmem:$0x19F80] =	vst v63  }
0xcf: {  	v3 =	vld [tilespmem:s15+$0x2900];
	_ =	sdelay $0x7  }
0xd0: {  	[tilespmem:v3+s7+$0x0] =	vst.idx.add.f32.msk $0xffff, v2  }
0xd1: {  	v3 =	vld [tilespmem:s15+$0x2910];
	_ =	sdelay $0x7  }
0xd2: {  	[tilespmem:v3+s7+$0x0] =	vst.idx.add.f32.msk $0xffff, v2  }
0xd3: {  	v3 =	vld [tilespmem:s15+$0x2920];
	_ =	sdelay $0x7  }
0xd4: {  	[tilespmem:v3+s7+$0x0] =	vst.idx.add.f32.msk $0xffff, v2  }
0xd5: {  	v3 =	vld [tilespmem:s15+$0x2930];
	_ =	sdelay $0x7  }
0xd6: {  	[tilespmem:v3+s7+$0x0] =	vst.idx.add.f32.msk $0xffff, v2  }
0xd7: {  	v3 =	vld [tilespmem:s15+$0x2940];
	_ =	sdelay $0x7  }
0xd8: {  	[tilespmem:v3+s7+$0x0] =	vst.idx.add.f32.msk $0xffff, v2  }
0xd9: {  	v3 =	vld [tilespmem:s15+$0x2950];
	_ =	sdelay $0x7  }
0xda: {  	[tilespmem:v3+s7+$0x0] =	vst.idx.add.f32.msk $0xffff, v2  }
0xdb: {  	v3 =	vld [tilespmem:s15+$0x2960];
	_ =	sdelay $0x7  }
0xdc: {  	[tilespmem:v3+s7+$0x0] =	vst.idx.add.f32.msk $0xffff, v2  }
0xdd: {  	v3 =	vld [tilespmem:s15+$0x2970];
	_ =	sdelay $0x7  }
0xde: {  	[tilespmem:v3+s7+$0x0] =	vst.idx.add.f32.msk $0xffff, v2  }
0xdf: {  	_ =	swait.ge [sflag:s12], $0x2000  }
0xe0: {  	[sflag:s12] =	ssyncset.done $0x0  }
0xe1: {  	s19 =	sadd.s32 $0x2980, s15;
	[sflag:s12] =	ssyncadd.s32 $0xFFFFE000  }
0xe2: {  	[spmem:s3] =	stream.indirect.scatter.add.f32 [tilespmem:s0], [sflag:$0x5], $0x40, s19, s31, $0xb8;
	[tilespmem:$0x19F80] =	vst v63  }
0xe3: {  	_ =	swait.ge [sflag:s26], $0x2000  }
0xe4: {  	[sflag:s26] =	ssyncset.done $0x0  }
0xe5: {  	s16 =	sadd.s32 @!p0 $0x380, s16;
	s18 =	simm.s32 @!p0 $0xB000;
	[sflag:s26] =	ssyncadd.s32 $0xFFFFE000  }
0xe6: {  	[tilespmem:s18], [sflag:$0x4] =	stream.indirect.gather @!p0 [hbm4b:s1+s17], $0x40, s16, s17, $0xb8;
	[tilespmem:$0x19F80] =	vst v63  }
0xe7: {  	v3 =	vld [tilespmem:s15+$0x2980];
	_ =	sdelay $0x7  }
0xe8: {  	[tilespmem:v3+s7+$0x0] =	vst.idx.add.f32.msk $0xffff, v2  }
0xe9: {  	v3 =	vld [tilespmem:s15+$0x2990];
	_ =	sdelay $0x7  }
0xea: {  	[tilespmem:v3+s7+$0x0] =	vst.idx.add.f32.msk $0xffff, v2  }
0xeb: {  	v3 =	vld [tilespmem:s15+$0x29A0];
	_ =	sdelay $0x7  }
0xec: {  	[tilespmem:v3+s7+$0x0] =	vst.idx.add.f32.msk $0xffff, v2  }
0xed: {  	v3 =	vld [tilespmem:s15+$0x29B0];
	_ =	sdelay $0x7  }
0xee: {  	[tilespmem:v3+s7+$0x0] =	vst.idx.add.f32.msk $0xffff, v2  }
0xef: {  	v3 =	vld [tilespmem:s15+$0x29C0];
	_ =	sdelay $0x7  }
0xf0: {  	[tilespmem:v3+s7+$0x0] =	vst.idx.add.f32.msk $0xffff, v2  }
0xf1: {  	v3 =	vld [tilespmem:s15+$0x29D0];
	_ =	sdelay $0x7  }
0xf2: {  	[tilespmem:v3+s7+$0x0] =	vst.idx.add.f32.msk $0xffff, v2  }
0xf3: {  	v3 =	vld [tilespmem:s15+$0x29E0];
	_ =	sdelay $0x7  }
0xf4: {  	[tilespmem:v3+s7+$0x0] =	vst.idx.add.f32.msk $0xffff, v2  }
0xf5: {  	v3 =	vld [tilespmem:s15+$0x29F0];
	_ =	sdelay $0x1  }
0xf6: {  	s14 =	sadd.s32 $0x800, s14  }
0xf7: {  	p0 =	sne.s32 s14, $0xA000  }
.Ltmp3:
0xf8: {  	_ = 	snop;
	(pc) =	sbr.rel @p0 .LBB2_8-.Ltmp3, $2  }
0xf9: {  	_ =	sdelay $0x2  }
0xfa: {  	[tilespmem:v3+s7+$0x0] =	vst.idx.add.f32.msk $0xffff, v2  }
0xfb: {  	s14 =	simm.s32 $0xF800  }
0xfc: {  	[spmem:s4] =	stream.indirect.scatter.add.f32 [tilespmem:s7], [sflag:$0x5], $0x10, s14, s31, $0xb8;
	[tilespmem:$0x19F80] =	vst v63  }
0xfd: {  	_ =	swait.ge [sflag:s26], $0x800  }
0xfe: {  	[sflag:s26] =	ssyncset.done $0x0  }
0xff: {  	s19 =	simm.s32 $0xF880;
	s15 =	simm.s32 $0xD800;
	[sflag:s26] =	ssyncadd.s32 $0xFFFFF800  }
0x100: {  	[spmem:s4] =	stream.indirect.scatter.add.f32 [tilespmem:s15], [sflag:$0x5], $0x10, s19, s31, $0xb8;
	[tilespmem:$0x19F80] =	vst v63  }
0x101: {  	_ =	swait.ge [sflag:s26], $0x800  }
0x102: {  	[sflag:s26] =	ssyncset.done $0x0  }
0x103: {  	s16 =	simm.s32 $0xF900;
	s17 =	simm.s32 $0xE000;
	[sflag:s26] =	ssyncadd.s32 $0xFFFFF800  }
0x104: {  	[spmem:s4] =	stream.indirect.scatter.add.f32 [tilespmem:s17], [sflag:$0x5], $0x10, s16, s31, $0xb8;
	[tilespmem:$0x19F80] =	vst v63  }
0x105: {  	_ =	swait.ge [sflag:s26], $0x800  }
0x106: {  	[sflag:s26] =	ssyncset.done $0x0  }
0x107: {  	s18 =	simm.s32 $0xF980;
	s19 =	simm.s32 $0xE800;
	[sflag:s26] =	ssyncadd.s32 $0xFFFFF800  }
0x108: {  	[spmem:s4] =	stream.indirect.scatter.add.f32 [tilespmem:s19], [sflag:$0x5], $0x10, s18, s31, $0xb8;
	[tilespmem:$0x19F80] =	vst v63  }
0x109: {  	_ =	swait.ge [sflag:s26], $0x800  }
0x10a: {  	[sflag:s26] =	ssyncset.done $0x0  }
0x10b: {  	s16 =	simm.s32 $0xFA00;
	s17 =	simm.s32 $0xF000;
	[sflag:s26] =	ssyncadd.s32 $0xFFFFF800  }
0x10c: {  	[spmem:s4] =	stream.indirect.scatter.add.f32 [tilespmem:s17], [sflag:$0x5], $0x10, s16, s31, $0xb8;
	[tilespmem:$0x19F80] =	vst v63  }
0x10d: {  	_ =	swait.ge [sflag:s26], $0x800  }
0x10e: {  	[sflag:s26] =	ssyncset.done $0x0  }
0x10f: {  	[sflag:s26] =	ssyncadd.s32 $0xFFFFF800  }
0x110: {  	[bflag:$0x0] =	sbarrier.arrive $0xFFFF  }
0x111: {  	s18 =	rddreg [dreg:$0x7]  }
0x112: {  	[tilespmem:s29], [sflag:$0x5] =	stream.linear.gather [spmem:s18], $0x2000, $0x38;
	[tilespmem:$0x19F80] =	vst v63  }
0x113: {  	_ =	swait.ge [sflag:s26], $0x2000  }
0x114: {  	[sflag:s26] =	ssyncset.done $0x0  }
0x115: {  	s19 =	rddreg [dreg:$0xb];
	[sflag:s26] =	ssyncadd.s32 $0xFFFFE000  }
0x116: {  	[hbm4b:s19+s5] =	stream.linear.scatter [tilespmem:s29], [sflag:$0x5], $0x2000, $0x38;
	[tilespmem:$0x19F80] =	vst v63  }
0x117: {  	_ =	swait.ge [sflag:s26], $0x2000  }
0x118: {  	[sflag:s26] =	ssyncset.done $0x0  }
0x119: {  	[sflag:s26] =	ssyncadd.s32 $0xFFFFE000  }
0x11a: {  	[tilespmem:s29], [sflag:$0x5] =	stream.linear.gather [spmem:s22], $0x2000, $0x38;
	[tilespmem:$0x19F80] =	vst v63  }
0x11b: {  	_ =	swait.ge [sflag:s26], $0x2000  }
0x11c: {  	[sflag:s26] =	ssyncset.done $0x0  }
0x11d: {  	s15 =	rddreg [dreg:$0xc];
	[sflag:s26] =	ssyncadd.s32 $0xFFFFE000  }
0x11e: {  	[hbm4b:s15+s5] =	stream.linear.scatter [tilespmem:s29], [sflag:$0x5], $0x2000, $0x38;
	[tilespmem:$0x19F80] =	vst v63  }
0x11f: {  	_ =	swait.ge [sflag:s26], $0x2000  }
0x120: {  	[sflag:s26] =	ssyncset.done $0x0  }
0x121: {  	[sflag:s26] =	ssyncadd.s32 $0xFFFFE000  }
0x122: {  	[tilespmem:s29], [sflag:$0x5] =	stream.linear.gather [spmem:s23], $0x2000, $0x38;
	[tilespmem:$0x19F80] =	vst v63  }
0x123: {  	_ =	swait.ge [sflag:s26], $0x2000  }
0x124: {  	[sflag:s26] =	ssyncset.done $0x0  }
0x125: {  	s16 =	rddreg [dreg:$0xd];
	[sflag:s26] =	ssyncadd.s32 $0xFFFFE000  }
0x126: {  	[hbm4b:s16+s5] =	stream.linear.scatter [tilespmem:s29], [sflag:$0x5], $0x2000, $0x38;
	[tilespmem:$0x19F80] =	vst v63  }
0x127: {  	_ =	swait.ge [sflag:s26], $0x2000  }
0x128: {  	[sflag:s26] =	ssyncset.done $0x0  }
0x129: {  	[sflag:s26] =	ssyncadd.s32 $0xFFFFE000  }
0x12a: {  	[tilespmem:s29], [sflag:$0x5] =	stream.linear.gather [spmem:s24], $0x2000, $0x38;
	[tilespmem:$0x19F80] =	vst v63  }
0x12b: {  	_ =	swait.ge [sflag:s26], $0x2000  }
0x12c: {  	[sflag:s26] =	ssyncset.done $0x0  }
0x12d: {  	s17 =	rddreg [dreg:$0xe];
	[sflag:s26] =	ssyncadd.s32 $0xFFFFE000  }
0x12e: {  	[hbm4b:s17+s5] =	stream.linear.scatter [tilespmem:s29], [sflag:$0x5], $0x2000, $0x38;
	[tilespmem:$0x19F80] =	vst v63  }
0x12f: {  	_ =	swait.ge [sflag:s26], $0x2000  }
0x130: {  	[sflag:s26] =	ssyncset.done $0x0  }
0x131: {  	[sflag:s26] =	ssyncadd.s32 $0xFFFFE000  }
0x132: {  	[tilespmem:s29], [sflag:$0x5] =	stream.linear.gather [spmem:s25], $0x2000, $0x38;
	[tilespmem:$0x19F80] =	vst v63  }
0x133: {  	_ =	swait.ge [sflag:s26], $0x2000  }
0x134: {  	[sflag:s26] =	ssyncset.done $0x0  }
0x135: {  	s18 =	rddreg [dreg:$0xf];
	[sflag:s26] =	ssyncadd.s32 $0xFFFFE000  }
0x136: {  	[hbm4b:s18+s5] =	stream.linear.scatter [tilespmem:s29], [sflag:$0x5], $0x2000, $0x38;
	[tilespmem:$0x19F80] =	vst v63  }
0x137: {  	_ =	swait.ge [sflag:s26], $0x2000  }
0x138: {  	[sflag:s26] =	ssyncset.done $0x0  }
0x139: {  	[sflag:s26] =	ssyncadd.s32 $0xFFFFE000  }
0x13a: {  	[tilespmem:s30], [sflag:$0x5] =	stream.linear.gather [spmem:s9], $0x280, $0x38;
	[tilespmem:$0x19F80] =	vst v63  }
0x13b: {  	_ =	swait.ge [sflag:s26], $0x280  }
0x13c: {  	[sflag:s26] =	ssyncset.done $0x0  }
0x13d: {  	[sflag:s26] =	ssyncadd.s32 $0xFFFFFD80  }
0x13e: {  	[hbm4b:s20+s5] =	stream.linear.scatter [tilespmem:s30], [sflag:$0x5], $0x280, $0x38;
	[tilespmem:$0x19F80] =	vst v63  }
0x13f: {  	_ =	swait.ge [sflag:s26], $0x280  }
0x140: {  	s13 =	sadd.s32 $0x1, s13;
	s19 =	rddreg [dreg:$0x8]  }
0x141: {  	p0 =	sne.s32 s13, s19  }
.Ltmp4:
0x142: {  	_ = 	snop;
	(pc) =	sbr.rel @p0 .LBB2_1-.Ltmp4, $3  }
0x143: {  	_ =	sdelay $0x1  }
0x144: {  	[sflag:s26] =	ssyncset.done $0x0  }
0x145: {  	[sflag:s26] =	ssyncadd.s32 $0xFFFFFD80  }
0x146: {  	_ =	sfence.sel $0x180000  }
0x147: {  	[bflag:$0x0] =	sbarrier.arrive $0xFFFF  }
0x148: {  	_ =	strace $0x90000047  }
0x149: {  	s0 =	stileid.u32;
	[bflag:$0x2] =	sbarrier.arrive $0xFFFF  }
0x14a: {  	p0 =	sne.s32 s0, $0x0;
	s0 =	rddreg [dreg:$0x4]  }
0x14b: {  	s0 =	sadd.s32 @!p0 $0x100000, s0  }
0x14c: {  	[sflag:s0] =	ssyncadd.tile.s32 @!p0 $0x1;
	_ =	shalt  }
.Lfunc_end2:
_tile_overlayer_lowered:
.L_overlay_start_2:
0x14d: {  	(tag) =	ssettag $0x2  }
0x14e: {  	s0 =	rddreg [dreg:$0x0];
	s2 =	stileid.u32  }
0x14f: {  	s1 =	rddreg [dreg:$0x1];
	p0 =	sne.s32 s2, $0x0  }
0x150: {  	s3 =	rddreg [dreg:$0x2];
	[bflag:$0x3] =	sbarrier.arrive $0xFFFF;
	s2 =	simm.s32 @!p0 $0x1C05  }
0x151: {  	[timem:s3], [sflag:s2] =	dma.local @!p0 [hbm:s0], s1  }
0x152: {  	s0 =	simm.s32 @!p0 $0x5  }
0x153: {  	_ =	swait.ge @!p0 [sflag:s0], s1  }
0x154: {  	s1 =	ssub.s32 @!p0 $0x0, s1;
	[sflag:s0] =	ssyncset.done @!p0 $0x0  }
0x155: {  	[sflag:s0] =	ssyncadd.s32 @!p0 s1  }
0x156: {  	[bflag:$0x3] =	sbarrier.arrive $0xFFFF  }
0x157: {  	_ =	shalt  }

</sc_bundles>
